<compile_context>
chip_gen: v7x
topology: tpu7x:2x2x1
jax: 0.10.2.dev20260603
libtpu: 0.0.44.dev20260713+nightly
codegen_flags: <defaults>
</compile_context>

<pallas_src>
import functools

import jax
import jax.numpy as jnp
from jax import lax
from jax.experimental import pallas as pl
from jax.experimental.pallas import tpu as pltpu
from jax.experimental.pallas import tpu_sc as plsc

N_USERS = 4000
N_ITEMS = 6000
N_NODES = N_USERS + N_ITEMS
D = 128
N_EDGES = 320000

NC = 2
NS = 16
NT = NC * NS
RPT = 640
NPAD = NS * RPT
EPT = N_EDGES // NT
K = 64
NBC = 40
CH = NBC * K
NCH = 4
EPAD = NCH * CH
NBP = NBC // 2

_mesh = plsc.VectorSubcoreMesh(core_axis_name="c", subcore_axis_name="s")


@functools.partial(
    pl.kernel,
    out_type=(
        jax.ShapeDtypeStruct((NPAD, D), jnp.float32),
        jax.ShapeDtypeStruct((NPAD, D), jnp.float32),
    ),
    mesh=_mesh,
    scratch_types=[
        pltpu.VMEM((CH,), jnp.int32),
        pltpu.VMEM((CH + 16,), jnp.float32),
        pltpu.VMEM((NBC, K), jnp.int32),
        pltpu.VMEM((K, D), jnp.float32),
        pltpu.VMEM((K, D), jnp.float32),
        pltpu.VMEM((K, D), jnp.float32),
        pltpu.VMEM((K, D), jnp.float32),
        pltpu.VMEM_SHARED((NPAD, D), jnp.float32),
        pltpu.SemaphoreType.DMA,
        pltpu.SemaphoreType.DMA,
        pltpu.SemaphoreType.DMA,
        pltpu.SemaphoreType.DMA,
    ],
)
def _spmm_kernel(table_hbm, cols_hbm, rows_hbm, vals_hbm,
                 p0_hbm, p1_hbm,
                 cols_v, vals_v, rows_v, g0, g1, s0, s1, acc,
                 semg0, semg1, sems, semin):
    c = lax.axis_index("c")
    s = lax.axis_index("s")
    wid = s * NC + c

    zf = jnp.zeros((16,), jnp.float32)

    with jax.named_scope("acc_zero"):
        def zrow(r, carry):
            for j in range(D // 16):
                s0[r, pl.ds(j * 16, 16)] = zf
            return carry

        lax.fori_loop(0, K, zrow, 0)
        for t in range(RPT // K):
            pltpu.sync_copy(s0, acc.at[pl.ds(s * RPT + t * K, K)])

    plsc.subcore_barrier()

    def g_issue(b, gbuf, sem):
        pltpu.make_async_copy(
            table_hbm.at[cols_v.at[pl.ds(b * K, K)]], gbuf, sem).start()

    def g_wait(b, gbuf, sem):
        pltpu.make_async_copy(
            table_hbm.at[cols_v.at[pl.ds(b * K, K)]], gbuf, sem).wait()

    def sc_start(b, sbuf):
        pltpu.make_async_copy(sbuf, acc.at[rows_v.at[b]], sems).start(add=True)

    def sc_drain():
        pltpu.make_async_copy(s0, acc.at[rows_v.at[0]], sems).wait()

    def compute(b, gbuf, sbuf):
        base = b * K

        @plsc.parallel_loop(0, K, 1, unroll=4)
        def _(e):
            vv = vals_v[pl.ds(base + e, 16)][0]
            for j in range(D // 16):
                sl = pl.ds(j * 16, 16)
                sbuf[e, sl] = vv * gbuf[e, sl]

    def chunk_body(ch, carry):
        with jax.named_scope("stage"):
            wch = wid * NCH + ch
            pltpu.make_async_copy(cols_hbm.at[wch], cols_v, semin).start()
            pltpu.make_async_copy(vals_hbm.at[wch],
                                  vals_v.at[pl.ds(0, CH)], semin).start()
            pltpu.make_async_copy(rows_hbm.at[wch], rows_v, semin).start()
            pltpu.make_async_copy(cols_hbm.at[wch], cols_v, semin).wait()
            pltpu.make_async_copy(vals_hbm.at[wch],
                                  vals_v.at[pl.ds(0, CH)], semin).wait()
            pltpu.make_async_copy(rows_hbm.at[wch], rows_v, semin).wait()

        g_issue(0, g0, semg0)

        def pair(g, inner):
            b0 = 2 * g
            b1 = b0 + 1
            g_issue(b1, g1, semg1)
            g_wait(b0, g0, semg0)

            @pl.when(g > 0)
            def _():
                sc_drain()
                sc_drain()

            compute(b0, g0, s0)
            sc_start(b0, s0)

            @pl.when(g + 1 < NBP)
            def _():
                g_issue(b0 + 2, g0, semg0)

            g_wait(b1, g1, semg1)
            compute(b1, g1, s1)
            sc_start(b1, s1)
            return inner

        with jax.named_scope("pairs"):
            lax.fori_loop(0, NBP, pair, 0)
            sc_drain()
            sc_drain()
        return carry

    with jax.named_scope("main_edges"):
        lax.fori_loop(0, NCH, chunk_body, 0)

    plsc.subcore_barrier()

    with jax.named_scope("writeback"):
        @pl.when(c == 0)
        def _():
            pltpu.sync_copy(acc.at[pl.ds(s * RPT, RPT)],
                            p0_hbm.at[pl.ds(s * RPT, RPT)])

        @pl.when(c == 1)
        def _():
            pltpu.sync_copy(acc.at[pl.ds(s * RPT, RPT)],
                            p1_hbm.at[pl.ds(s * RPT, RPT)])


def _tc_combine_body(p0, p1, sm, tout, sout):
    t = p0[...] + p1[...]
    tout[...] = t
    sout[...] = sm[...] + t


_tc_combine = pl.pallas_call(
    _tc_combine_body,
    grid=(8,),
    in_specs=[pl.BlockSpec((NPAD // 8, D), lambda i: (i, 0))] * 3,
    out_specs=[pl.BlockSpec((NPAD // 8, D), lambda i: (i, 0))] * 2,
    out_shape=(
        jax.ShapeDtypeStruct((NPAD, D), jnp.float32),
        jax.ShapeDtypeStruct((NPAD, D), jnp.float32),
    ),
)


def kernel(user_w, item_w, adj_rows, adj_cols, adj_vals, n_layers):
    all_emb = jnp.concatenate([user_w, item_w], axis=0)
    table = jnp.zeros((NPAD, D), jnp.float32).at[:N_NODES].set(all_emb)

    pad = ((0, 0), (0, EPAD - EPT))
    cols2 = jnp.pad(adj_cols.reshape(NT, EPT), pad).reshape(NT * NCH, CH)
    vals2 = jnp.pad(adj_vals.reshape(NT, EPT), pad).reshape(NT * NCH, CH)
    rows3 = jnp.pad(adj_rows.reshape(NT, EPT), pad).reshape(NT * NCH, NBC, K)

    def body(_, carry):
        tbl, sumb = carry
        part0, part1 = _spmm_kernel(tbl, cols2, rows3, vals2)
        return _tc_combine(part0, part1, sumb)

    _, sumf = lax.fori_loop(0, n_layers, body, (table, table))

    mean = sumf[:N_NODES] * (1.0 / (n_layers + 1.0))
    return mean[:N_USERS], mean[N_USERS:]

# --- scband reference (transcript-rebuilt; emitter-appended) ---
"""Pipeline reference for scband-mf-3298534884162 (READ-ONLY COPY).

The authoritative reference and input builder live on the scoring server;
editing this copy changes nothing except your own understanding.
"""

import jax, jax.numpy as jnp
import numpy as np

N_USERS = 4000
N_ITEMS = 6000
N_NODES = N_USERS + N_ITEMS
LATENT_DIM = 128
N_EDGES = 320000
N_LAYERS = 3


def setup_inputs(seed: int = 0) -> dict:
    key = jax.random.key(seed)
    k1, k2, k3, k4, k5 = jax.random.split(key, 5)
    user_w = jax.random.normal(k1, (N_USERS, LATENT_DIM), dtype=jnp.float32) * 0.1
    item_w = jax.random.normal(k2, (N_ITEMS, LATENT_DIM), dtype=jnp.float32) * 0.1
    adj_rows = jax.random.randint(k3, (N_EDGES,), 0, N_NODES, dtype=jnp.int64 if jax.config.jax_enable_x64 else jnp.int32).astype(jnp.int32)
    adj_cols = jax.random.randint(k4, (N_EDGES,), 0, N_NODES, dtype=jnp.int64 if jax.config.jax_enable_x64 else jnp.int32).astype(jnp.int32)
    adj_vals = jax.random.uniform(k5, (N_EDGES,), dtype=jnp.float32)
    return {
        "user_w": user_w,
        "item_w": item_w,
        "adj_rows": adj_rows,
        "adj_cols": adj_cols,
        "adj_vals": adj_vals,
        "n_layers": N_LAYERS,
    }


def reference(user_w, item_w, adj_rows, adj_cols, adj_vals, n_layers):
    # get_ego_embeddings: concat user and item embedding tables
    all_embeddings = jnp.concatenate([user_w, item_w], axis=0)
    embeddings_buf = jnp.zeros((N_NODES, N_LAYERS + 1, LATENT_DIM), dtype=all_embeddings.dtype)
    embeddings_buf = embeddings_buf.at[:, 0, :].set(all_embeddings)
    # LightGCN propagation: all_embeddings = norm_adj_matrix @ all_embeddings (sparse COO spmm)
    def body(i, carry):
        emb, buf = carry
        gathered = emb[adj_cols] * adj_vals[:, None]          # gather + scale
        emb = jax.ops.segment_sum(gathered, adj_rows, num_segments=N_NODES)  # scatter-add
        buf = buf.at[:, i + 1, :].set(emb)
        return (emb, buf)
    _, embeddings_buf = jax.lax.fori_loop(0, n_layers, body, (all_embeddings, embeddings_buf))
    lightgcn_all_embeddings = jnp.mean(embeddings_buf, axis=1)
    user_all_embeddings = lightgcn_all_embeddings[:N_USERS]
    item_all_embeddings = lightgcn_all_embeddings[N_USERS:]
    return (user_all_embeddings, item_all_embeddings)

if __name__ == "__main__":
    import jax
    _d = setup_inputs()
    print(jax.jit(kernel)(*tuple(_d.values())))

</pallas_src>

<mosaic_0001>
#map = affine_map<(d0, d1) -> (0, 0)>
#map1 = affine_map<(d0, d1) -> (0, 0, 0)>
module attributes {stable_mosaic.version = 14 : i64} {
  func.func @_spmm_kernel(%arg0: i32, %arg1: i32, %arg2: memref<10240x128xf32, #tpu.memory_space<hbm>>, %arg3: memref<128x2560xi32, #tpu.memory_space<hbm>>, %arg4: memref<128x40x64xi32, #tpu.memory_space<hbm>>, %arg5: memref<128x2560xf32, #tpu.memory_space<hbm>>, %arg6: memref<10240x128xf32, #tpu.memory_space<hbm>>, %arg7: memref<10240x128xf32, #tpu.memory_space<hbm>>, %arg8: memref<2560xi32, #tpu.memory_space<vmem>>, %arg9: memref<2576xf32, #tpu.memory_space<vmem>>, %arg10: memref<40x64xi32, #tpu.memory_space<vmem>>, %arg11: memref<64x128xf32, #tpu.memory_space<vmem>>, %arg12: memref<64x128xf32, #tpu.memory_space<vmem>>, %arg13: memref<64x128xf32, #tpu.memory_space<vmem>>, %arg14: memref<64x128xf32, #tpu.memory_space<vmem>>, %arg15: memref<10240x128xf32, #tpu.memory_space<vmem_shared>>, %arg16: memref<!tpu.dma_semaphore, #tpu.memory_space<semaphore_mem>>, %arg17: memref<!tpu.dma_semaphore, #tpu.memory_space<semaphore_mem>>, %arg18: memref<!tpu.dma_semaphore, #tpu.memory_space<semaphore_mem>>, %arg19: memref<!tpu.dma_semaphore, #tpu.memory_space<semaphore_mem>>) attributes {dimension_semantics = [#tpu.dimension_semantics<core_parallel>, #tpu.dimension_semantics<subcore_parallel>], iteration_bounds = array<i64: 2, 16>, scalar_prefetch = 0 : i64, scratch_operands = 12 : i64, tpu.core_type = #tpu.core_type<sc_vector_subcore>, window_params = [{transform_indices = #map}, {transform_indices = #map}, {transform_indices = #map1}, {transform_indices = #map}, {transform_indices = #map}, {transform_indices = #map}]} {
    %mul3A = arith.constant 2 : i32
    %mul3A_0 = arith.muli %arg1, %mul3A : i32
    %add3A = arith.addi %mul3A_0, %arg0 : i32
    %broadcast_in_dim3A = arith.constant 0.000000e+00 : f32
    %broadcast_in_dim3A_1 = vector.broadcast %broadcast_in_dim3A : f32 to vector<16xf32>
    "tpu.trace_start"() <{level = 10 : i32, message = "acc_zero"}> : () -> ()
    %scan3A = arith.constant 0 : i32
    %scan3A_2 = arith.constant 0 : i32
    %scan3A_3 = arith.constant 64 : i32
    %scan3A_4 = arith.addi %scan3A_2, %scan3A_3 : i32
    %scan3A_5 = arith.constant 1 : i32
    scf.for %scan3A_61 = %scan3A_2 to %scan3A_4 step %scan3A_5  : i32 {
      %swap3A = arith.index_cast %scan3A_61 : i32 to index
      %swap3A_62 = arith.constant 0 : index
      %swap3A_63 = tpu.vector_load %arg13[%swap3A, %swap3A_62] {strides = array<i32>} : memref<64x128xf32, #tpu.memory_space<vmem>>, vector<1x16xf32>,
      %swap3A_64 = vector.shape_cast %swap3A_63 : vector<1x16xf32> to vector<16xf32>
      %swap3A_65 = vector.shape_cast %broadcast_in_dim3A_1 : vector<16xf32> to vector<1x16xf32>
      tpu.vector_store %arg13[%swap3A, %swap3A_62], %swap3A_65 {strides = array<i32>} : memref<64x128xf32, #tpu.memory_space<vmem>>, vector<1x16xf32>,
      %swap3A_66 = arith.index_cast %scan3A_61 : i32 to index
      %swap3A_67 = arith.constant 16 : index
      %swap3A_68 = tpu.vector_load %arg13[%swap3A_66, %swap3A_67] {strides = array<i32>} : memref<64x128xf32, #tpu.memory_space<vmem>>, vector<1x16xf32>,
      %swap3A_69 = vector.shape_cast %swap3A_68 : vector<1x16xf32> to vector<16xf32>
      %swap3A_70 = vector.shape_cast %broadcast_in_dim3A_1 : vector<16xf32> to vector<1x16xf32>
      tpu.vector_store %arg13[%swap3A_66, %swap3A_67], %swap3A_70 {strides = array<i32>} : memref<64x128xf32, #tpu.memory_space<vmem>>, vector<1x16xf32>,
      %swap3A_71 = arith.index_cast %scan3A_61 : i32 to index
      %swap3A_72 = arith.constant 32 : index
      %swap3A_73 = tpu.vector_load %arg13[%swap3A_71, %swap3A_72] {strides = array<i32>} : memref<64x128xf32, #tpu.memory_space<vmem>>, vector<1x16xf32>,
      %swap3A_74 = vector.shape_cast %swap3A_73 : vector<1x16xf32> to vector<16xf32>
      %swap3A_75 = vector.shape_cast %broadcast_in_dim3A_1 : vector<16xf32> to vector<1x16xf32>
      tpu.vector_store %arg13[%swap3A_71, %swap3A_72], %swap3A_75 {strides = array<i32>} : memref<64x128xf32, #tpu.memory_space<vmem>>, vector<1x16xf32>,
      %swap3A_76 = arith.index_cast %scan3A_61 : i32 to index
      %swap3A_77 = arith.constant 48 : index
      %swap3A_78 = tpu.vector_load %arg13[%swap3A_76, %swap3A_77] {strides = array<i32>} : memref<64x128xf32, #tpu.memory_space<vmem>>, vector<1x16xf32>,
      %swap3A_79 = vector.shape_cast %swap3A_78 : vector<1x16xf32> to vector<16xf32>
      %swap3A_80 = vector.shape_cast %broadcast_in_dim3A_1 : vector<16xf32> to vector<1x16xf32>
      tpu.vector_store %arg13[%swap3A_76, %swap3A_77], %swap3A_80 {strides = array<i32>} : memref<64x128xf32, #tpu.memory_space<vmem>>, vector<1x16xf32>,
      %swap3A_81 = arith.index_cast %scan3A_61 : i32 to index
      %swap3A_82 = arith.constant 64 : index
      %swap3A_83 = tpu.vector_load %arg13[%swap3A_81, %swap3A_82] {strides = array<i32>} : memref<64x128xf32, #tpu.memory_space<vmem>>, vector<1x16xf32>,
      %swap3A_84 = vector.shape_cast %swap3A_83 : vector<1x16xf32> to vector<16xf32>
      %swap3A_85 = vector.shape_cast %broadcast_in_dim3A_1 : vector<16xf32> to vector<1x16xf32>
      tpu.vector_store %arg13[%swap3A_81, %swap3A_82], %swap3A_85 {strides = array<i32>} : memref<64x128xf32, #tpu.memory_space<vmem>>, vector<1x16xf32>,
      %swap3A_86 = arith.index_cast %scan3A_61 : i32 to index
      %swap3A_87 = arith.constant 80 : index
      %swap3A_88 = tpu.vector_load %arg13[%swap3A_86, %swap3A_87] {strides = array<i32>} : memref<64x128xf32, #tpu.memory_space<vmem>>, vector<1x16xf32>,
      %swap3A_89 = vector.shape_cast %swap3A_88 : vector<1x16xf32> to vector<16xf32>
      %swap3A_90 = vector.shape_cast %broadcast_in_dim3A_1 : vector<16xf32> to vector<1x16xf32>
      tpu.vector_store %arg13[%swap3A_86, %swap3A_87], %swap3A_90 {strides = array<i32>} : memref<64x128xf32, #tpu.memory_space<vmem>>, vector<1x16xf32>,
      %swap3A_91 = arith.index_cast %scan3A_61 : i32 to index
      %swap3A_92 = arith.constant 96 : index
      %swap3A_93 = tpu.vector_load %arg13[%swap3A_91, %swap3A_92] {strides = array<i32>} : memref<64x128xf32, #tpu.memory_space<vmem>>, vector<1x16xf32>,
      %swap3A_94 = vector.shape_cast %swap3A_93 : vector<1x16xf32> to vector<16xf32>
      %swap3A_95 = vector.shape_cast %broadcast_in_dim3A_1 : vector<16xf32> to vector<1x16xf32>
      tpu.vector_store %arg13[%swap3A_91, %swap3A_92], %swap3A_95 {strides = array<i32>} : memref<64x128xf32, #tpu.memory_space<vmem>>, vector<1x16xf32>,
      %swap3A_96 = arith.index_cast %scan3A_61 : i32 to index
      %swap3A_97 = arith.constant 112 : index
      %swap3A_98 = tpu.vector_load %arg13[%swap3A_96, %swap3A_97] {strides = array<i32>} : memref<64x128xf32, #tpu.memory_space<vmem>>, vector<1x16xf32>,
      %swap3A_99 = vector.shape_cast %swap3A_98 : vector<1x16xf32> to vector<16xf32>
      %swap3A_100 = vector.shape_cast %broadcast_in_dim3A_1 : vector<16xf32> to vector<1x16xf32>
      tpu.vector_store %arg13[%swap3A_96, %swap3A_97], %swap3A_100 {strides = array<i32>} : memref<64x128xf32, #tpu.memory_space<vmem>>, vector<1x16xf32>,
    }
    %scan3A_6 = arith.constant 64 : i32
    %mul3A_7 = arith.constant 640 : i32
    %mul3A_8 = arith.muli %arg1, %mul3A_7 : i32
    %add3A_9 = arith.constant 0 : i32
    %add3A_10 = arith.addi %mul3A_8, %add3A_9 : i32
    "tpu.region"() ({
      %run_scoped3A = tpu.sem_alloc : memref<!tpu.dma_semaphore, #tpu.memory_space<semaphore_mem>>
      %dma_start3A = arith.constant 0 : i32
      %dma_start3A_61 = tpu.memref_slice %arg15[%add3A_10, %dma_start3A] : memref<10240x128xf32, #tpu.memory_space<vmem_shared>> -> memref<64x128xf32, #tpu.memory_space<vmem_shared>>
      %dma_start3A_62 = arith.constant 0 : i32
      %dma_start3A_63 = tpu.memref_slice %arg15[%add3A_10, %dma_start3A_62] : memref<10240x128xf32, #tpu.memory_space<vmem_shared>> -> memref<64x128xf32, #tpu.memory_space<vmem_shared>>
      tpu.enqueue_dma source(%arg13 : memref<64x128xf32, #tpu.memory_space<vmem>>) target(%dma_start3A_63 : memref<64x128xf32, #tpu.memory_space<vmem_shared>>) target_semaphore(%run_scoped3A : memref<!tpu.dma_semaphore, #tpu.memory_space<semaphore_mem>>)
      %dma_wait3A = arith.constant 0 : i32
      %dma_wait3A_64 = tpu.memref_slice %arg15[%add3A_10, %dma_wait3A] : memref<10240x128xf32, #tpu.memory_space<vmem_shared>> -> memref<64x128xf32, #tpu.memory_space<vmem_shared>>
      %dma_wait3A_65 = arith.constant 0 : i32
      %dma_wait3A_66 = tpu.memref_slice %arg15[%add3A_10, %dma_wait3A_65] : memref<10240x128xf32, #tpu.memory_space<vmem_shared>> -> memref<64x128xf32, #tpu.memory_space<vmem_shared>>
      tpu.wait_dma2 semaphore(%run_scoped3A : memref<!tpu.dma_semaphore, #tpu.memory_space<semaphore_mem>>) src(%arg13 : memref<64x128xf32, #tpu.memory_space<vmem>>) dst(%dma_wait3A_66 : memref<64x128xf32, #tpu.memory_space<vmem_shared>>)
      tpu.yield
    }) : () -> ()
    %mul3A_11 = arith.constant 640 : i32
    %mul3A_12 = arith.muli %arg1, %mul3A_11 : i32
    %add3A_13 = arith.constant 64 : i32
    %add3A_14 = arith.addi %mul3A_12, %add3A_13 : i32
    "tpu.region"() ({
      %run_scoped3A = tpu.sem_alloc : memref<!tpu.dma_semaphore, #tpu.memory_space<semaphore_mem>>
      %dma_start3A = arith.constant 0 : i32
      %dma_start3A_61 = tpu.memref_slice %arg15[%add3A_14, %dma_start3A] : memref<10240x128xf32, #tpu.memory_space<vmem_shared>> -> memref<64x128xf32, #tpu.memory_space<vmem_shared>>
      %dma_start3A_62 = arith.constant 0 : i32
      %dma_start3A_63 = tpu.memref_slice %arg15[%add3A_14, %dma_start3A_62] : memref<10240x128xf32, #tpu.memory_space<vmem_shared>> -> memref<64x128xf32, #tpu.memory_space<vmem_shared>>
      tpu.enqueue_dma source(%arg13 : memref<64x128xf32, #tpu.memory_space<vmem>>) target(%dma_start3A_63 : memref<64x128xf32, #tpu.memory_space<vmem_shared>>) target_semaphore(%run_scoped3A : memref<!tpu.dma_semaphore, #tpu.memory_space<semaphore_mem>>)
      %dma_wait3A = arith.constant 0 : i32
      %dma_wait3A_64 = tpu.memref_slice %arg15[%add3A_14, %dma_wait3A] : memref<10240x128xf32, #tpu.memory_space<vmem_shared>> -> memref<64x128xf32, #tpu.memory_space<vmem_shared>>
      %dma_wait3A_65 = arith.constant 0 : i32
      %dma_wait3A_66 = tpu.memref_slice %arg15[%add3A_14, %dma_wait3A_65] : memref<10240x128xf32, #tpu.memory_space<vmem_shared>> -> memref<64x128xf32, #tpu.memory_space<vmem_shared>>
      tpu.wait_dma2 semaphore(%run_scoped3A : memref<!tpu.dma_semaphore, #tpu.memory_space<semaphore_mem>>) src(%arg13 : memref<64x128xf32, #tpu.memory_space<vmem>>) dst(%dma_wait3A_66 : memref<64x128xf32, #tpu.memory_space<vmem_shared>>)
      tpu.yield
    }) : () -> ()
    %mul3A_15 = arith.constant 640 : i32
    %mul3A_16 = arith.muli %arg1, %mul3A_15 : i32
    %add3A_17 = arith.constant 128 : i32
    %add3A_18 = arith.addi %mul3A_16, %add3A_17 : i32
    "tpu.region"() ({
      %run_scoped3A = tpu.sem_alloc : memref<!tpu.dma_semaphore, #tpu.memory_space<semaphore_mem>>
      %dma_start3A = arith.constant 0 : i32
      %dma_start3A_61 = tpu.memref_slice %arg15[%add3A_18, %dma_start3A] : memref<10240x128xf32, #tpu.memory_space<vmem_shared>> -> memref<64x128xf32, #tpu.memory_space<vmem_shared>>
      %dma_start3A_62 = arith.constant 0 : i32
      %dma_start3A_63 = tpu.memref_slice %arg15[%add3A_18, %dma_start3A_62] : memref<10240x128xf32, #tpu.memory_space<vmem_shared>> -> memref<64x128xf32, #tpu.memory_space<vmem_shared>>
      tpu.enqueue_dma source(%arg13 : memref<64x128xf32, #tpu.memory_space<vmem>>) target(%dma_start3A_63 : memref<64x128xf32, #tpu.memory_space<vmem_shared>>) target_semaphore(%run_scoped3A : memref<!tpu.dma_semaphore, #tpu.memory_space<semaphore_mem>>)
      %dma_wait3A = arith.constant 0 : i32
      %dma_wait3A_64 = tpu.memref_slice %arg15[%add3A_18, %dma_wait3A] : memref<10240x128xf32, #tpu.memory_space<vmem_shared>> -> memref<64x128xf32, #tpu.memory_space<vmem_shared>>
      %dma_wait3A_65 = arith.constant 0 : i32
      %dma_wait3A_66 = tpu.memref_slice %arg15[%add3A_18, %dma_wait3A_65] : memref<10240x128xf32, #tpu.memory_space<vmem_shared>> -> memref<64x128xf32, #tpu.memory_space<vmem_shared>>
      tpu.wait_dma2 semaphore(%run_scoped3A : memref<!tpu.dma_semaphore, #tpu.memory_space<semaphore_mem>>) src(%arg13 : memref<64x128xf32, #tpu.memory_space<vmem>>) dst(%dma_wait3A_66 : memref<64x128xf32, #tpu.memory_space<vmem_shared>>)
      tpu.yield
    }) : () -> ()
    %mul3A_19 = arith.constant 640 : i32
    %mul3A_20 = arith.muli %arg1, %mul3A_19 : i32
    %add3A_21 = arith.constant 192 : i32
    %add3A_22 = arith.addi %mul3A_20, %add3A_21 : i32
    "tpu.region"() ({
      %run_scoped3A = tpu.sem_alloc : memref<!tpu.dma_semaphore, #tpu.memory_space<semaphore_mem>>
      %dma_start3A = arith.constant 0 : i32
      %dma_start3A_61 = tpu.memref_slice %arg15[%add3A_22, %dma_start3A] : memref<10240x128xf32, #tpu.memory_space<vmem_shared>> -> memref<64x128xf32, #tpu.memory_space<vmem_shared>>
      %dma_start3A_62 = arith.constant 0 : i32
      %dma_start3A_63 = tpu.memref_slice %arg15[%add3A_22, %dma_start3A_62] : memref<10240x128xf32, #tpu.memory_space<vmem_shared>> -> memref<64x128xf32, #tpu.memory_space<vmem_shared>>
      tpu.enqueue_dma source(%arg13 : memref<64x128xf32, #tpu.memory_space<vmem>>) target(%dma_start3A_63 : memref<64x128xf32, #tpu.memory_space<vmem_shared>>) target_semaphore(%run_scoped3A : memref<!tpu.dma_semaphore, #tpu.memory_space<semaphore_mem>>)
      %dma_wait3A = arith.constant 0 : i32
      %dma_wait3A_64 = tpu.memref_slice %arg15[%add3A_22, %dma_wait3A] : memref<10240x128xf32, #tpu.memory_space<vmem_shared>> -> memref<64x128xf32, #tpu.memory_space<vmem_shared>>
      %dma_wait3A_65 = arith.constant 0 : i32
      %dma_wait3A_66 = tpu.memref_slice %arg15[%add3A_22, %dma_wait3A_65] : memref<10240x128xf32, #tpu.memory_space<vmem_shared>> -> memref<64x128xf32, #tpu.memory_space<vmem_shared>>
      tpu.wait_dma2 semaphore(%run_scoped3A : memref<!tpu.dma_semaphore, #tpu.memory_space<semaphore_mem>>) src(%arg13 : memref<64x128xf32, #tpu.memory_space<vmem>>) dst(%dma_wait3A_66 : memref<64x128xf32, #tpu.memory_space<vmem_shared>>)
      tpu.yield
    }) : () -> ()
    %mul3A_23 = arith.constant 640 : i32
    %mul3A_24 = arith.muli %arg1, %mul3A_23 : i32
    %add3A_25 = arith.constant 256 : i32
    %add3A_26 = arith.addi %mul3A_24, %add3A_25 : i32
    "tpu.region"() ({
      %run_scoped3A = tpu.sem_alloc : memref<!tpu.dma_semaphore, #tpu.memory_space<semaphore_mem>>
      %dma_start3A = arith.constant 0 : i32
      %dma_start3A_61 = tpu.memref_slice %arg15[%add3A_26, %dma_start3A] : memref<10240x128xf32, #tpu.memory_space<vmem_shared>> -> memref<64x128xf32, #tpu.memory_space<vmem_shared>>
      %dma_start3A_62 = arith.constant 0 : i32
      %dma_start3A_63 = tpu.memref_slice %arg15[%add3A_26, %dma_start3A_62] : memref<10240x128xf32, #tpu.memory_space<vmem_shared>> -> memref<64x128xf32, #tpu.memory_space<vmem_shared>>
      tpu.enqueue_dma source(%arg13 : memref<64x128xf32, #tpu.memory_space<vmem>>) target(%dma_start3A_63 : memref<64x128xf32, #tpu.memory_space<vmem_shared>>) target_semaphore(%run_scoped3A : memref<!tpu.dma_semaphore, #tpu.memory_space<semaphore_mem>>)
      %dma_wait3A = arith.constant 0 : i32
      %dma_wait3A_64 = tpu.memref_slice %arg15[%add3A_26, %dma_wait3A] : memref<10240x128xf32, #tpu.memory_space<vmem_shared>> -> memref<64x128xf32, #tpu.memory_space<vmem_shared>>
      %dma_wait3A_65 = arith.constant 0 : i32
      %dma_wait3A_66 = tpu.memref_slice %arg15[%add3A_26, %dma_wait3A_65] : memref<10240x128xf32, #tpu.memory_space<vmem_shared>> -> memref<64x128xf32, #tpu.memory_space<vmem_shared>>
      tpu.wait_dma2 semaphore(%run_scoped3A : memref<!tpu.dma_semaphore, #tpu.memory_space<semaphore_mem>>) src(%arg13 : memref<64x128xf32, #tpu.memory_space<vmem>>) dst(%dma_wait3A_66 : memref<64x128xf32, #tpu.memory_space<vmem_shared>>)
      tpu.yield
    }) : () -> ()
    %mul3A_27 = arith.constant 640 : i32
    %mul3A_28 = arith.muli %arg1, %mul3A_27 : i32
    %add3A_29 = arith.constant 320 : i32
    %add3A_30 = arith.addi %mul3A_28, %add3A_29 : i32
    "tpu.region"() ({
      %run_scoped3A = tpu.sem_alloc : memref<!tpu.dma_semaphore, #tpu.memory_space<semaphore_mem>>
      %dma_start3A = arith.constant 0 : i32
      %dma_start3A_61 = tpu.memref_slice %arg15[%add3A_30, %dma_start3A] : memref<10240x128xf32, #tpu.memory_space<vmem_shared>> -> memref<64x128xf32, #tpu.memory_space<vmem_shared>>
      %dma_start3A_62 = arith.constant 0 : i32
      %dma_start3A_63 = tpu.memref_slice %arg15[%add3A_30, %dma_start3A_62] : memref<10240x128xf32, #tpu.memory_space<vmem_shared>> -> memref<64x128xf32, #tpu.memory_space<vmem_shared>>
      tpu.enqueue_dma source(%arg13 : memref<64x128xf32, #tpu.memory_space<vmem>>) target(%dma_start3A_63 : memref<64x128xf32, #tpu.memory_space<vmem_shared>>) target_semaphore(%run_scoped3A : memref<!tpu.dma_semaphore, #tpu.memory_space<semaphore_mem>>)
      %dma_wait3A = arith.constant 0 : i32
      %dma_wait3A_64 = tpu.memref_slice %arg15[%add3A_30, %dma_wait3A] : memref<10240x128xf32, #tpu.memory_space<vmem_shared>> -> memref<64x128xf32, #tpu.memory_space<vmem_shared>>
      %dma_wait3A_65 = arith.constant 0 : i32
      %dma_wait3A_66 = tpu.memref_slice %arg15[%add3A_30, %dma_wait3A_65] : memref<10240x128xf32, #tpu.memory_space<vmem_shared>> -> memref<64x128xf32, #tpu.memory_space<vmem_shared>>
      tpu.wait_dma2 semaphore(%run_scoped3A : memref<!tpu.dma_semaphore, #tpu.memory_space<semaphore_mem>>) src(%arg13 : memref<64x128xf32, #tpu.memory_space<vmem>>) dst(%dma_wait3A_66 : memref<64x128xf32, #tpu.memory_space<vmem_shared>>)
      tpu.yield
    }) : () -> ()
    %mul3A_31 = arith.constant 640 : i32
    %mul3A_32 = arith.muli %arg1, %mul3A_31 : i32
    %add3A_33 = arith.constant 384 : i32
    %add3A_34 = arith.addi %mul3A_32, %add3A_33 : i32
    "tpu.region"() ({
      %run_scoped3A = tpu.sem_alloc : memref<!tpu.dma_semaphore, #tpu.memory_space<semaphore_mem>>
      %dma_start3A = arith.constant 0 : i32
      %dma_start3A_61 = tpu.memref_slice %arg15[%add3A_34, %dma_start3A] : memref<10240x128xf32, #tpu.memory_space<vmem_shared>> -> memref<64x128xf32, #tpu.memory_space<vmem_shared>>
      %dma_start3A_62 = arith.constant 0 : i32
      %dma_start3A_63 = tpu.memref_slice %arg15[%add3A_34, %dma_start3A_62] : memref<10240x128xf32, #tpu.memory_space<vmem_shared>> -> memref<64x128xf32, #tpu.memory_space<vmem_shared>>
      tpu.enqueue_dma source(%arg13 : memref<64x128xf32, #tpu.memory_space<vmem>>) target(%dma_start3A_63 : memref<64x128xf32, #tpu.memory_space<vmem_shared>>) target_semaphore(%run_scoped3A : memref<!tpu.dma_semaphore, #tpu.memory_space<semaphore_mem>>)
      %dma_wait3A = arith.constant 0 : i32
      %dma_wait3A_64 = tpu.memref_slice %arg15[%add3A_34, %dma_wait3A] : memref<10240x128xf32, #tpu.memory_space<vmem_shared>> -> memref<64x128xf32, #tpu.memory_space<vmem_shared>>
      %dma_wait3A_65 = arith.constant 0 : i32
      %dma_wait3A_66 = tpu.memref_slice %arg15[%add3A_34, %dma_wait3A_65] : memref<10240x128xf32, #tpu.memory_space<vmem_shared>> -> memref<64x128xf32, #tpu.memory_space<vmem_shared>>
      tpu.wait_dma2 semaphore(%run_scoped3A : memref<!tpu.dma_semaphore, #tpu.memory_space<semaphore_mem>>) src(%arg13 : memref<64x128xf32, #tpu.memory_space<vmem>>) dst(%dma_wait3A_66 : memref<64x128xf32, #tpu.memory_space<vmem_shared>>)
      tpu.yield
    }) : () -> ()
    %mul3A_35 = arith.constant 640 : i32
    %mul3A_36 = arith.muli %arg1, %mul3A_35 : i32
    %add3A_37 = arith.constant 448 : i32
    %add3A_38 = arith.addi %mul3A_36, %add3A_37 : i32
    "tpu.region"() ({
      %run_scoped3A = tpu.sem_alloc : memref<!tpu.dma_semaphore, #tpu.memory_space<semaphore_mem>>
      %dma_start3A = arith.constant 0 : i32
      %dma_start3A_61 = tpu.memref_slice %arg15[%add3A_38, %dma_start3A] : memref<10240x128xf32, #tpu.memory_space<vmem_shared>> -> memref<64x128xf32, #tpu.memory_space<vmem_shared>>
      %dma_start3A_62 = arith.constant 0 : i32
      %dma_start3A_63 = tpu.memref_slice %arg15[%add3A_38, %dma_start3A_62] : memref<10240x128xf32, #tpu.memory_space<vmem_shared>> -> memref<64x128xf32, #tpu.memory_space<vmem_shared>>
      tpu.enqueue_dma source(%arg13 : memref<64x128xf32, #tpu.memory_space<vmem>>) target(%dma_start3A_63 : memref<64x128xf32, #tpu.memory_space<vmem_shared>>) target_semaphore(%run_scoped3A : memref<!tpu.dma_semaphore, #tpu.memory_space<semaphore_mem>>)
      %dma_wait3A = arith.constant 0 : i32
      %dma_wait3A_64 = tpu.memref_slice %arg15[%add3A_38, %dma_wait3A] : memref<10240x128xf32, #tpu.memory_space<vmem_shared>> -> memref<64x128xf32, #tpu.memory_space<vmem_shared>>
      %dma_wait3A_65 = arith.constant 0 : i32
      %dma_wait3A_66 = tpu.memref_slice %arg15[%add3A_38, %dma_wait3A_65] : memref<10240x128xf32, #tpu.memory_space<vmem_shared>> -> memref<64x128xf32, #tpu.memory_space<vmem_shared>>
      tpu.wait_dma2 semaphore(%run_scoped3A : memref<!tpu.dma_semaphore, #tpu.memory_space<semaphore_mem>>) src(%arg13 : memref<64x128xf32, #tpu.memory_space<vmem>>) dst(%dma_wait3A_66 : memref<64x128xf32, #tpu.memory_space<vmem_shared>>)
      tpu.yield
    }) : () -> ()
    %mul3A_39 = arith.constant 640 : i32
    %mul3A_40 = arith.muli %arg1, %mul3A_39 : i32
    %add3A_41 = arith.constant 512 : i32
    %add3A_42 = arith.addi %mul3A_40, %add3A_41 : i32
    "tpu.region"() ({
      %run_scoped3A = tpu.sem_alloc : memref<!tpu.dma_semaphore, #tpu.memory_space<semaphore_mem>>
      %dma_start3A = arith.constant 0 : i32
      %dma_start3A_61 = tpu.memref_slice %arg15[%add3A_42, %dma_start3A] : memref<10240x128xf32, #tpu.memory_space<vmem_shared>> -> memref<64x128xf32, #tpu.memory_space<vmem_shared>>
      %dma_start3A_62 = arith.constant 0 : i32
      %dma_start3A_63 = tpu.memref_slice %arg15[%add3A_42, %dma_start3A_62] : memref<10240x128xf32, #tpu.memory_space<vmem_shared>> -> memref<64x128xf32, #tpu.memory_space<vmem_shared>>
      tpu.enqueue_dma source(%arg13 : memref<64x128xf32, #tpu.memory_space<vmem>>) target(%dma_start3A_63 : memref<64x128xf32, #tpu.memory_space<vmem_shared>>) target_semaphore(%run_scoped3A : memref<!tpu.dma_semaphore, #tpu.memory_space<semaphore_mem>>)
      %dma_wait3A = arith.constant 0 : i32
      %dma_wait3A_64 = tpu.memref_slice %arg15[%add3A_42, %dma_wait3A] : memref<10240x128xf32, #tpu.memory_space<vmem_shared>> -> memref<64x128xf32, #tpu.memory_space<vmem_shared>>
      %dma_wait3A_65 = arith.constant 0 : i32
      %dma_wait3A_66 = tpu.memref_slice %arg15[%add3A_42, %dma_wait3A_65] : memref<10240x128xf32, #tpu.memory_space<vmem_shared>> -> memref<64x128xf32, #tpu.memory_space<vmem_shared>>
      tpu.wait_dma2 semaphore(%run_scoped3A : memref<!tpu.dma_semaphore, #tpu.memory_space<semaphore_mem>>) src(%arg13 : memref<64x128xf32, #tpu.memory_space<vmem>>) dst(%dma_wait3A_66 : memref<64x128xf32, #tpu.memory_space<vmem_shared>>)
      tpu.yield
    }) : () -> ()
    %mul3A_43 = arith.constant 640 : i32
    %mul3A_44 = arith.muli %arg1, %mul3A_43 : i32
    %add3A_45 = arith.constant 576 : i32
    %add3A_46 = arith.addi %mul3A_44, %add3A_45 : i32
    "tpu.region"() ({
      %run_scoped3A = tpu.sem_alloc : memref<!tpu.dma_semaphore, #tpu.memory_space<semaphore_mem>>
      %dma_start3A = arith.constant 0 : i32
      %dma_start3A_61 = tpu.memref_slice %arg15[%add3A_46, %dma_start3A] : memref<10240x128xf32, #tpu.memory_space<vmem_shared>> -> memref<64x128xf32, #tpu.memory_space<vmem_shared>>
      %dma_start3A_62 = arith.constant 0 : i32
      %dma_start3A_63 = tpu.memref_slice %arg15[%add3A_46, %dma_start3A_62] : memref<10240x128xf32, #tpu.memory_space<vmem_shared>> -> memref<64x128xf32, #tpu.memory_space<vmem_shared>>
      tpu.enqueue_dma source(%arg13 : memref<64x128xf32, #tpu.memory_space<vmem>>) target(%dma_start3A_63 : memref<64x128xf32, #tpu.memory_space<vmem_shared>>) target_semaphore(%run_scoped3A : memref<!tpu.dma_semaphore, #tpu.memory_space<semaphore_mem>>)
      %dma_wait3A = arith.constant 0 : i32
      %dma_wait3A_64 = tpu.memref_slice %arg15[%add3A_46, %dma_wait3A] : memref<10240x128xf32, #tpu.memory_space<vmem_shared>> -> memref<64x128xf32, #tpu.memory_space<vmem_shared>>
      %dma_wait3A_65 = arith.constant 0 : i32
      %dma_wait3A_66 = tpu.memref_slice %arg15[%add3A_46, %dma_wait3A_65] : memref<10240x128xf32, #tpu.memory_space<vmem_shared>> -> memref<64x128xf32, #tpu.memory_space<vmem_shared>>
      tpu.wait_dma2 semaphore(%run_scoped3A : memref<!tpu.dma_semaphore, #tpu.memory_space<semaphore_mem>>) src(%arg13 : memref<64x128xf32, #tpu.memory_space<vmem>>) dst(%dma_wait3A_66 : memref<64x128xf32, #tpu.memory_space<vmem_shared>>)
      tpu.yield
    }) : () -> ()
    "tpu.trace_stop"() : () -> ()
    %barrier3A = arith.constant 0 : index
    tpu.barrier barrier_id(%barrier3A)
    "tpu.trace_start"() <{level = 10 : i32, message = "main_edges"}> : () -> ()
    %scan3A_47 = arith.constant 0 : i32
    %scan3A_48 = arith.constant 0 : i32
    %scan3A_49 = arith.constant 4 : i32
    %scan3A_50 = arith.addi %scan3A_48, %scan3A_49 : i32
    %scan3A_51 = arith.constant 1 : i32
    scf.for %scan3A_61 = %scan3A_48 to %scan3A_50 step %scan3A_51  : i32 {
      "tpu.trace_start"() <{level = 10 : i32, message = "stage"}> : () -> ()
      %mul3A_62 = arith.constant 4 : i32
      %mul3A_63 = arith.muli %add3A, %mul3A_62 : i32
      %add3A_64 = arith.addi %mul3A_63, %scan3A_61 : i32
      %dma_start3A = arith.constant 0 : i32
      %dma_start3A_65 = tpu.memref_slice %arg3[%add3A_64, %dma_start3A] : memref<128x2560xi32, #tpu.memory_space<hbm>> -> memref<1x2560xi32, #tpu.memory_space<hbm>>
      %dma_start3A_66 = tpu.memref_squeeze %dma_start3A_65 : memref<1x2560xi32, #tpu.memory_space<hbm>> -> memref<2560xi32, #tpu.memory_space<hbm>>
      %dma_start3A_67 = arith.constant 0 : i32
      %dma_start3A_68 = tpu.memref_slice %arg3[%add3A_64, %dma_start3A_67] : memref<128x2560xi32, #tpu.memory_space<hbm>> -> memref<1x2560xi32, #tpu.memory_space<hbm>>
      %dma_start3A_69 = tpu.memref_squeeze %dma_start3A_68 : memref<1x2560xi32, #tpu.memory_space<hbm>> -> memref<2560xi32, #tpu.memory_space<hbm>>
      tpu.enqueue_dma source(%dma_start3A_69 : memref<2560xi32, #tpu.memory_space<hbm>>) target(%arg8 : memref<2560xi32, #tpu.memory_space<vmem>>) target_semaphore(%arg19 : memref<!tpu.dma_semaphore, #tpu.memory_space<semaphore_mem>>)
      %dma_start3A_70 = arith.constant 0 : i32
      %dma_start3A_71 = tpu.memref_slice %arg9[%dma_start3A_70] : memref<2576xf32, #tpu.memory_space<vmem>> -> memref<2560xf32, #tpu.memory_space<vmem>>
      %dma_start3A_72 = arith.constant 0 : i32
      %dma_start3A_73 = tpu.memref_slice %arg5[%add3A_64, %dma_start3A_72] : memref<128x2560xf32, #tpu.memory_space<hbm>> -> memref<1x2560xf32, #tpu.memory_space<hbm>>
      %dma_start3A_74 = tpu.memref_squeeze %dma_start3A_73 : memref<1x2560xf32, #tpu.memory_space<hbm>> -> memref<2560xf32, #tpu.memory_space<hbm>>
      %dma_start3A_75 = arith.constant 0 : i32
      %dma_start3A_76 = tpu.memref_slice %arg9[%dma_start3A_75] : memref<2576xf32, #tpu.memory_space<vmem>> -> memref<2560xf32, #tpu.memory_space<vmem>>
      %dma_start3A_77 = arith.constant 0 : i32
      %dma_start3A_78 = tpu.memref_slice %arg5[%add3A_64, %dma_start3A_77] : memref<128x2560xf32, #tpu.memory_space<hbm>> -> memref<1x2560xf32, #tpu.memory_space<hbm>>
      %dma_start3A_79 = tpu.memref_squeeze %dma_start3A_78 : memref<1x2560xf32, #tpu.memory_space<hbm>> -> memref<2560xf32, #tpu.memory_space<hbm>>
      tpu.enqueue_dma source(%dma_start3A_79 : memref<2560xf32, #tpu.memory_space<hbm>>) target(%dma_start3A_76 : memref<2560xf32, #tpu.memory_space<vmem>>) target_semaphore(%arg19 : memref<!tpu.dma_semaphore, #tpu.memory_space<semaphore_mem>>)
      %dma_start3A_80 = arith.constant 0 : i32
      %dma_start3A_81 = arith.constant 0 : i32
      %dma_start3A_82 = tpu.memref_slice %arg4[%add3A_64, %dma_start3A_80, %dma_start3A_81] : memref<128x40x64xi32, #tpu.memory_space<hbm>> -> memref<1x40x64xi32, #tpu.memory_space<hbm>>
      %dma_start3A_83 = tpu.memref_squeeze %dma_start3A_82 : memref<1x40x64xi32, #tpu.memory_space<hbm>> -> memref<40x64xi32, #tpu.memory_space<hbm>>
      %dma_start3A_84 = arith.constant 0 : i32
      %dma_start3A_85 = arith.constant 0 : i32
      %dma_start3A_86 = tpu.memref_slice %arg4[%add3A_64, %dma_start3A_84, %dma_start3A_85] : memref<128x40x64xi32, #tpu.memory_space<hbm>> -> memref<1x40x64xi32, #tpu.memory_space<hbm>>
      %dma_start3A_87 = tpu.memref_squeeze %dma_start3A_86 : memref<1x40x64xi32, #tpu.memory_space<hbm>> -> memref<40x64xi32, #tpu.memory_space<hbm>>
      tpu.enqueue_dma source(%dma_start3A_87 : memref<40x64xi32, #tpu.memory_space<hbm>>) target(%arg10 : memref<40x64xi32, #tpu.memory_space<vmem>>) target_semaphore(%arg19 : memref<!tpu.dma_semaphore, #tpu.memory_space<semaphore_mem>>)
      %dma_wait3A = arith.constant 0 : i32
      %dma_wait3A_88 = tpu.memref_slice %arg3[%add3A_64, %dma_wait3A] : memref<128x2560xi32, #tpu.memory_space<hbm>> -> memref<1x2560xi32, #tpu.memory_space<hbm>>
      %dma_wait3A_89 = tpu.memref_squeeze %dma_wait3A_88 : memref<1x2560xi32, #tpu.memory_space<hbm>> -> memref<2560xi32, #tpu.memory_space<hbm>>
      %dma_wait3A_90 = arith.constant 0 : i32
      %dma_wait3A_91 = tpu.memref_slice %arg3[%add3A_64, %dma_wait3A_90] : memref<128x2560xi32, #tpu.memory_space<hbm>> -> memref<1x2560xi32, #tpu.memory_space<hbm>>
      %dma_wait3A_92 = tpu.memref_squeeze %dma_wait3A_91 : memref<1x2560xi32, #tpu.memory_space<hbm>> -> memref<2560xi32, #tpu.memory_space<hbm>>
      tpu.wait_dma2 semaphore(%arg19 : memref<!tpu.dma_semaphore, #tpu.memory_space<semaphore_mem>>) src(%dma_wait3A_92 : memref<2560xi32, #tpu.memory_space<hbm>>) dst(%arg8 : memref<2560xi32, #tpu.memory_space<vmem>>)
      %dma_wait3A_93 = arith.constant 0 : i32
      %dma_wait3A_94 = tpu.memref_slice %arg9[%dma_wait3A_93] : memref<2576xf32, #tpu.memory_space<vmem>> -> memref<2560xf32, #tpu.memory_space<vmem>>
      %dma_wait3A_95 = arith.constant 0 : i32
      %dma_wait3A_96 = tpu.memref_slice %arg5[%add3A_64, %dma_wait3A_95] : memref<128x2560xf32, #tpu.memory_space<hbm>> -> memref<1x2560xf32, #tpu.memory_space<hbm>>
      %dma_wait3A_97 = tpu.memref_squeeze %dma_wait3A_96 : memref<1x2560xf32, #tpu.memory_space<hbm>> -> memref<2560xf32, #tpu.memory_space<hbm>>
      %dma_wait3A_98 = arith.constant 0 : i32
      %dma_wait3A_99 = tpu.memref_slice %arg9[%dma_wait3A_98] : memref<2576xf32, #tpu.memory_space<vmem>> -> memref<2560xf32, #tpu.memory_space<vmem>>
      %dma_wait3A_100 = arith.constant 0 : i32
      %dma_wait3A_101 = tpu.memref_slice %arg5[%add3A_64, %dma_wait3A_100] : memref<128x2560xf32, #tpu.memory_space<hbm>> -> memref<1x2560xf32, #tpu.memory_space<hbm>>
      %dma_wait3A_102 = tpu.memref_squeeze %dma_wait3A_101 : memref<1x2560xf32, #tpu.memory_space<hbm>> -> memref<2560xf32, #tpu.memory_space<hbm>>
      tpu.wait_dma2 semaphore(%arg19 : memref<!tpu.dma_semaphore, #tpu.memory_space<semaphore_mem>>) src(%dma_wait3A_102 : memref<2560xf32, #tpu.memory_space<hbm>>) dst(%dma_wait3A_99 : memref<2560xf32, #tpu.memory_space<vmem>>)
      %dma_wait3A_103 = arith.constant 0 : i32
      %dma_wait3A_104 = arith.constant 0 : i32
      %dma_wait3A_105 = tpu.memref_slice %arg4[%add3A_64, %dma_wait3A_103, %dma_wait3A_104] : memref<128x40x64xi32, #tpu.memory_space<hbm>> -> memref<1x40x64xi32, #tpu.memory_space<hbm>>
      %dma_wait3A_106 = tpu.memref_squeeze %dma_wait3A_105 : memref<1x40x64xi32, #tpu.memory_space<hbm>> -> memref<40x64xi32, #tpu.memory_space<hbm>>
      %dma_wait3A_107 = arith.constant 0 : i32
      %dma_wait3A_108 = arith.constant 0 : i32
      %dma_wait3A_109 = tpu.memref_slice %arg4[%add3A_64, %dma_wait3A_107, %dma_wait3A_108] : memref<128x40x64xi32, #tpu.memory_space<hbm>> -> memref<1x40x64xi32, #tpu.memory_space<hbm>>
      %dma_wait3A_110 = tpu.memref_squeeze %dma_wait3A_109 : memref<1x40x64xi32, #tpu.memory_space<hbm>> -> memref<40x64xi32, #tpu.memory_space<hbm>>
      tpu.wait_dma2 semaphore(%arg19 : memref<!tpu.dma_semaphore, #tpu.memory_space<semaphore_mem>>) src(%dma_wait3A_110 : memref<40x64xi32, #tpu.memory_space<hbm>>) dst(%arg10 : memref<40x64xi32, #tpu.memory_space<vmem>>)
      "tpu.trace_stop"() : () -> ()
      %dma_start3A_111 = arith.constant 0 : i32
      %dma_start3A_112 = tpu.memref_slice %arg8[%dma_start3A_111] : memref<2560xi32, #tpu.memory_space<vmem>> -> memref<64xi32, #tpu.memory_space<vmem>>
      %dma_start3A_113 = arith.constant 0 : i32
      %dma_start3A_114 = arith.constant 0 : i32
      %dma_start3A_115 = tpu.memref_slice %arg2[%dma_start3A_113, %dma_start3A_114] : memref<10240x128xf32, #tpu.memory_space<hbm>> -> memref<10240x128xf32, #tpu.memory_space<hbm>>
      tpu.enqueue_indirect_dma source(%dma_start3A_115 : memref<10240x128xf32, #tpu.memory_space<hbm>>) target(%arg11 : memref<64x128xf32, #tpu.memory_space<vmem>>) offsets(%dma_start3A_112 : memref<64xi32, #tpu.memory_space<vmem>>) semaphore(%arg16 : memref<!tpu.dma_semaphore, #tpu.memory_space<semaphore_mem>>)
      "tpu.trace_start"() <{level = 10 : i32, message = "pairs"}> : () -> ()
      %scan3A_116 = arith.constant 0 : i32
      %scan3A_117 = arith.constant 0 : i32
      %scan3A_118 = arith.constant 20 : i32
      %scan3A_119 = arith.addi %scan3A_117, %scan3A_118 : i32
      %scan3A_120 = arith.constant 1 : i32
      scf.for %scan3A_136 = %scan3A_117 to %scan3A_119 step %scan3A_120  : i32 {
        %mul3A_137 = arith.constant 2 : i32
        %mul3A_138 = arith.muli %mul3A_137, %scan3A_136 : i32
        %add3A_139 = arith.constant 1 : i32
        %add3A_140 = arith.addi %mul3A_138, %add3A_139 : i32
        %mul3A_141 = arith.constant 64 : i32
        %mul3A_142 = arith.muli %add3A_140, %mul3A_141 : i32
        %dma_start3A_143 = tpu.memref_slice %arg8[%mul3A_142] : memref<2560xi32, #tpu.memory_space<vmem>> -> memref<64xi32, #tpu.memory_space<vmem>>
        %dma_start3A_144 = arith.constant 0 : i32
        %dma_start3A_145 = arith.constant 0 : i32
        %dma_start3A_146 = tpu.memref_slice %arg2[%dma_start3A_144, %dma_start3A_145] : memref<10240x128xf32, #tpu.memory_space<hbm>> -> memref<10240x128xf32, #tpu.memory_space<hbm>>
        tpu.enqueue_indirect_dma source(%dma_start3A_146 : memref<10240x128xf32, #tpu.memory_space<hbm>>) target(%arg12 : memref<64x128xf32, #tpu.memory_space<vmem>>) offsets(%dma_start3A_143 : memref<64xi32, #tpu.memory_space<vmem>>) semaphore(%arg17 : memref<!tpu.dma_semaphore, #tpu.memory_space<semaphore_mem>>)
        %mul3A_147 = arith.constant 64 : i32
        %mul3A_148 = arith.muli %mul3A_138, %mul3A_147 : i32
        %dma_wait3A_149 = tpu.memref_slice %arg8[%mul3A_148] : memref<2560xi32, #tpu.memory_space<vmem>> -> memref<64xi32, #tpu.memory_space<vmem>>
        %dma_wait3A_150 = arith.constant 0 : i32
        %dma_wait3A_151 = arith.constant 0 : i32
        %dma_wait3A_152 = tpu.memref_slice %arg2[%dma_wait3A_150, %dma_wait3A_151] : memref<10240x128xf32, #tpu.memory_space<hbm>> -> memref<10240x128xf32, #tpu.memory_space<hbm>>
        tpu.wait_indirect_dma semaphore(%arg16 : memref<!tpu.dma_semaphore, #tpu.memory_space<semaphore_mem>>) src(%dma_wait3A_152 : memref<10240x128xf32, #tpu.memory_space<hbm>>) dst(%arg11 : memref<64x128xf32, #tpu.memory_space<vmem>>)
        %gt3A = arith.constant 0 : i32
        %gt3A_153 = arith.cmpi sgt, %scan3A_136, %gt3A : i32
        %convert_element_type3A_154 = arith.extui %gt3A_153 : i1 to i32
        %cond3A_155 = arith.constant 0 : i32
        %cond3A_156 = arith.cmpi ne, %convert_element_type3A_154, %cond3A_155 : i32
        scf.if %cond3A_156 {
          %dma_wait3A_190 = arith.constant 0 : i32
          %dma_wait3A_191 = arith.constant 0 : i32
          %dma_wait3A_192 = tpu.memref_slice %arg10[%dma_wait3A_190, %dma_wait3A_191] : memref<40x64xi32, #tpu.memory_space<vmem>> -> memref<1x64xi32, #tpu.memory_space<vmem>>
          %dma_wait3A_193 = tpu.memref_squeeze %dma_wait3A_192 : memref<1x64xi32, #tpu.memory_space<vmem>> -> memref<64xi32, #tpu.memory_space<vmem>>
          %dma_wait3A_194 = arith.constant 0 : i32
          %dma_wait3A_195 = arith.constant 0 : i32
          %dma_wait3A_196 = tpu.memref_slice %arg15[%dma_wait3A_194, %dma_wait3A_195] : memref<10240x128xf32, #tpu.memory_space<vmem_shared>> -> memref<10240x128xf32, #tpu.memory_space<vmem_shared>>
          tpu.wait_indirect_dma semaphore(%arg18 : memref<!tpu.dma_semaphore, #tpu.memory_space<semaphore_mem>>) src(%arg13 : memref<64x128xf32, #tpu.memory_space<vmem>>) dst(%dma_wait3A_196 : memref<10240x128xf32, #tpu.memory_space<vmem_shared>>)
          %dma_wait3A_197 = arith.constant 0 : i32
          %dma_wait3A_198 = arith.constant 0 : i32
          %dma_wait3A_199 = tpu.memref_slice %arg10[%dma_wait3A_197, %dma_wait3A_198] : memref<40x64xi32, #tpu.memory_space<vmem>> -> memref<1x64xi32, #tpu.memory_space<vmem>>
          %dma_wait3A_200 = tpu.memref_squeeze %dma_wait3A_199 : memref<1x64xi32, #tpu.memory_space<vmem>> -> memref<64xi32, #tpu.memory_space<vmem>>
          %dma_wait3A_201 = arith.constant 0 : i32
          %dma_wait3A_202 = arith.constant 0 : i32
          %dma_wait3A_203 = tpu.memref_slice %arg15[%dma_wait3A_201, %dma_wait3A_202] : memref<10240x128xf32, #tpu.memory_space<vmem_shared>> -> memref<10240x128xf32, #tpu.memory_space<vmem_shared>>
          tpu.wait_indirect_dma semaphore(%arg18 : memref<!tpu.dma_semaphore, #tpu.memory_space<semaphore_mem>>) src(%arg13 : memref<64x128xf32, #tpu.memory_space<vmem>>) dst(%dma_wait3A_203 : memref<10240x128xf32, #tpu.memory_space<vmem_shared>>)
        } else {
        }
        %mul3A_157 = arith.constant 64 : i32
        %mul3A_158 = arith.muli %mul3A_138, %mul3A_157 : i32
        %parallel_loop3A = arith.constant 0 : i32
        %parallel_loop3A_159 = arith.constant 64 : i32
        %parallel_loop3A_160 = arith.constant 1 : i32
        scf.for %parallel_loop3A_190 = %parallel_loop3A to %parallel_loop3A_159 step %parallel_loop3A_160  : i32 {
          %parallel_loop3A_191 = arith.addi %mul3A_158, %parallel_loop3A_190 : i32
          %parallel_loop3A_192 = arith.index_cast %parallel_loop3A_191 : i32 to index
          %parallel_loop3A_193 = tpu.vector_load %arg9[%parallel_loop3A_192] {strides = array<i32>} : memref<2576xf32, #tpu.memory_space<vmem>>, vector<16xf32>,
          %parallel_loop3A_194 = vector.shape_cast %parallel_loop3A_193 : vector<16xf32> to vector<16xf32>
          %parallel_loop3A_195 = vector.extract_strided_slice %parallel_loop3A_194 {offsets = [0], sizes = [1], strides = [1]} : vector<16xf32> to vector<1xf32>
          %parallel_loop3A_196 = vector.extract %parallel_loop3A_195[0] : f32 from vector<1xf32>
          %parallel_loop3A_197 = arith.index_cast %parallel_loop3A_190 : i32 to index
          %parallel_loop3A_198 = arith.constant 0 : index
          %parallel_loop3A_199 = tpu.vector_load %arg11[%parallel_loop3A_197, %parallel_loop3A_198] {strides = array<i32>} : memref<64x128xf32, #tpu.memory_space<vmem>>, vector<1x16xf32>,
          %parallel_loop3A_200 = vector.shape_cast %parallel_loop3A_199 : vector<1x16xf32> to vector<16xf32>
          %parallel_loop3A_201 = vector.broadcast %parallel_loop3A_196 : f32 to vector<16xf32>
          %parallel_loop3A_202 = arith.mulf %parallel_loop3A_201, %parallel_loop3A_200 : vector<16xf32>
          %parallel_loop3A_203 = arith.index_cast %parallel_loop3A_190 : i32 to index
          %parallel_loop3A_204 = arith.constant 0 : index
          %parallel_loop3A_205 = tpu.vector_load %arg13[%parallel_loop3A_203, %parallel_loop3A_204] {strides = array<i32>} : memref<64x128xf32, #tpu.memory_space<vmem>>, vector<1x16xf32>,
          %parallel_loop3A_206 = vector.shape_cast %parallel_loop3A_205 : vector<1x16xf32> to vector<16xf32>
          %parallel_loop3A_207 = vector.shape_cast %parallel_loop3A_202 : vector<16xf32> to vector<1x16xf32>
          tpu.vector_store %arg13[%parallel_loop3A_203, %parallel_loop3A_204], %parallel_loop3A_207 {strides = array<i32>} : memref<64x128xf32, #tpu.memory_space<vmem>>, vector<1x16xf32>,
          %parallel_loop3A_208 = arith.index_cast %parallel_loop3A_190 : i32 to index
          %parallel_loop3A_209 = arith.constant 16 : index
          %parallel_loop3A_210 = tpu.vector_load %arg11[%parallel_loop3A_208, %parallel_loop3A_209] {strides = array<i32>} : memref<64x128xf32, #tpu.memory_space<vmem>>, vector<1x16xf32>,
          %parallel_loop3A_211 = vector.shape_cast %parallel_loop3A_210 : vector<1x16xf32> to vector<16xf32>
          %parallel_loop3A_212 = vector.broadcast %parallel_loop3A_196 : f32 to vector<16xf32>
          %parallel_loop3A_213 = arith.mulf %parallel_loop3A_212, %parallel_loop3A_211 : vector<16xf32>
          %parallel_loop3A_214 = arith.index_cast %parallel_loop3A_190 : i32 to index
          %parallel_loop3A_215 = arith.constant 16 : index
          %parallel_loop3A_216 = tpu.vector_load %arg13[%parallel_loop3A_214, %parallel_loop3A_215] {strides = array<i32>} : memref<64x128xf32, #tpu.memory_space<vmem>>, vector<1x16xf32>,
          %parallel_loop3A_217 = vector.shape_cast %parallel_loop3A_216 : vector<1x16xf32> to vector<16xf32>
          %parallel_loop3A_218 = vector.shape_cast %parallel_loop3A_213 : vector<16xf32> to vector<1x16xf32>
          tpu.vector_store %arg13[%parallel_loop3A_214, %parallel_loop3A_215], %parallel_loop3A_218 {strides = array<i32>} : memref<64x128xf32, #tpu.memory_space<vmem>>, vector<1x16xf32>,
          %parallel_loop3A_219 = arith.index_cast %parallel_loop3A_190 : i32 to index
          %parallel_loop3A_220 = arith.constant 32 : index
          %parallel_loop3A_221 = tpu.vector_load %arg11[%parallel_loop3A_219, %parallel_loop3A_220] {strides = array<i32>} : memref<64x128xf32, #tpu.memory_space<vmem>>, vector<1x16xf32>,
          %parallel_loop3A_222 = vector.shape_cast %parallel_loop3A_221 : vector<1x16xf32> to vector<16xf32>
          %parallel_loop3A_223 = vector.broadcast %parallel_loop3A_196 : f32 to vector<16xf32>
          %parallel_loop3A_224 = arith.mulf %parallel_loop3A_223, %parallel_loop3A_222 : vector<16xf32>
          %parallel_loop3A_225 = arith.index_cast %parallel_loop3A_190 : i32 to index
          %parallel_loop3A_226 = arith.constant 32 : index
          %parallel_loop3A_227 = tpu.vector_load %arg13[%parallel_loop3A_225, %parallel_loop3A_226] {strides = array<i32>} : memref<64x128xf32, #tpu.memory_space<vmem>>, vector<1x16xf32>,
          %parallel_loop3A_228 = vector.shape_cast %parallel_loop3A_227 : vector<1x16xf32> to vector<16xf32>
          %parallel_loop3A_229 = vector.shape_cast %parallel_loop3A_224 : vector<16xf32> to vector<1x16xf32>
          tpu.vector_store %arg13[%parallel_loop3A_225, %parallel_loop3A_226], %parallel_loop3A_229 {strides = array<i32>} : memref<64x128xf32, #tpu.memory_space<vmem>>, vector<1x16xf32>,
          %parallel_loop3A_230 = arith.index_cast %parallel_loop3A_190 : i32 to index
          %parallel_loop3A_231 = arith.constant 48 : index
          %parallel_loop3A_232 = tpu.vector_load %arg11[%parallel_loop3A_230, %parallel_loop3A_231] {strides = array<i32>} : memref<64x128xf32, #tpu.memory_space<vmem>>, vector<1x16xf32>,
          %parallel_loop3A_233 = vector.shape_cast %parallel_loop3A_232 : vector<1x16xf32> to vector<16xf32>
          %parallel_loop3A_234 = vector.broadcast %parallel_loop3A_196 : f32 to vector<16xf32>
          %parallel_loop3A_235 = arith.mulf %parallel_loop3A_234, %parallel_loop3A_233 : vector<16xf32>
          %parallel_loop3A_236 = arith.index_cast %parallel_loop3A_190 : i32 to index
          %parallel_loop3A_237 = arith.constant 48 : index
          %parallel_loop3A_238 = tpu.vector_load %arg13[%parallel_loop3A_236, %parallel_loop3A_237] {strides = array<i32>} : memref<64x128xf32, #tpu.memory_space<vmem>>, vector<1x16xf32>,
          %parallel_loop3A_239 = vector.shape_cast %parallel_loop3A_238 : vector<1x16xf32> to vector<16xf32>
          %parallel_loop3A_240 = vector.shape_cast %parallel_loop3A_235 : vector<16xf32> to vector<1x16xf32>
          tpu.vector_store %arg13[%parallel_loop3A_236, %parallel_loop3A_237], %parallel_loop3A_240 {strides = array<i32>} : memref<64x128xf32, #tpu.memory_space<vmem>>, vector<1x16xf32>,
          %parallel_loop3A_241 = arith.index_cast %parallel_loop3A_190 : i32 to index
          %parallel_loop3A_242 = arith.constant 64 : index
          %parallel_loop3A_243 = tpu.vector_load %arg11[%parallel_loop3A_241, %parallel_loop3A_242] {strides = array<i32>} : memref<64x128xf32, #tpu.memory_space<vmem>>, vector<1x16xf32>,
          %parallel_loop3A_244 = vector.shape_cast %parallel_loop3A_243 : vector<1x16xf32> to vector<16xf32>
          %parallel_loop3A_245 = vector.broadcast %parallel_loop3A_196 : f32 to vector<16xf32>
          %parallel_loop3A_246 = arith.mulf %parallel_loop3A_245, %parallel_loop3A_244 : vector<16xf32>
          %parallel_loop3A_247 = arith.index_cast %parallel_loop3A_190 : i32 to index
          %parallel_loop3A_248 = arith.constant 64 : index
          %parallel_loop3A_249 = tpu.vector_load %arg13[%parallel_loop3A_247, %parallel_loop3A_248] {strides = array<i32>} : memref<64x128xf32, #tpu.memory_space<vmem>>, vector<1x16xf32>,
          %parallel_loop3A_250 = vector.shape_cast %parallel_loop3A_249 : vector<1x16xf32> to vector<16xf32>
          %parallel_loop3A_251 = vector.shape_cast %parallel_loop3A_246 : vector<16xf32> to vector<1x16xf32>
          tpu.vector_store %arg13[%parallel_loop3A_247, %parallel_loop3A_248], %parallel_loop3A_251 {strides = array<i32>} : memref<64x128xf32, #tpu.memory_space<vmem>>, vector<1x16xf32>,
          %parallel_loop3A_252 = arith.index_cast %parallel_loop3A_190 : i32 to index
          %parallel_loop3A_253 = arith.constant 80 : index
          %parallel_loop3A_254 = tpu.vector_load %arg11[%parallel_loop3A_252, %parallel_loop3A_253] {strides = array<i32>} : memref<64x128xf32, #tpu.memory_space<vmem>>, vector<1x16xf32>,
          %parallel_loop3A_255 = vector.shape_cast %parallel_loop3A_254 : vector<1x16xf32> to vector<16xf32>
          %parallel_loop3A_256 = vector.broadcast %parallel_loop3A_196 : f32 to vector<16xf32>
          %parallel_loop3A_257 = arith.mulf %parallel_loop3A_256, %parallel_loop3A_255 : vector<16xf32>
          %parallel_loop3A_258 = arith.index_cast %parallel_loop3A_190 : i32 to index
          %parallel_loop3A_259 = arith.constant 80 : index
          %parallel_loop3A_260 = tpu.vector_load %arg13[%parallel_loop3A_258, %parallel_loop3A_259] {strides = array<i32>} : memref<64x128xf32, #tpu.memory_space<vmem>>, vector<1x16xf32>,
          %parallel_loop3A_261 = vector.shape_cast %parallel_loop3A_260 : vector<1x16xf32> to vector<16xf32>
          %parallel_loop3A_262 = vector.shape_cast %parallel_loop3A_257 : vector<16xf32> to vector<1x16xf32>
          tpu.vector_store %arg13[%parallel_loop3A_258, %parallel_loop3A_259], %parallel_loop3A_262 {strides = array<i32>} : memref<64x128xf32, #tpu.memory_space<vmem>>, vector<1x16xf32>,
          %parallel_loop3A_263 = arith.index_cast %parallel_loop3A_190 : i32 to index
          %parallel_loop3A_264 = arith.constant 96 : index
          %parallel_loop3A_265 = tpu.vector_load %arg11[%parallel_loop3A_263, %parallel_loop3A_264] {strides = array<i32>} : memref<64x128xf32, #tpu.memory_space<vmem>>, vector<1x16xf32>,
          %parallel_loop3A_266 = vector.shape_cast %parallel_loop3A_265 : vector<1x16xf32> to vector<16xf32>
          %parallel_loop3A_267 = vector.broadcast %parallel_loop3A_196 : f32 to vector<16xf32>
          %parallel_loop3A_268 = arith.mulf %parallel_loop3A_267, %parallel_loop3A_266 : vector<16xf32>
          %parallel_loop3A_269 = arith.index_cast %parallel_loop3A_190 : i32 to index
          %parallel_loop3A_270 = arith.constant 96 : index
          %parallel_loop3A_271 = tpu.vector_load %arg13[%parallel_loop3A_269, %parallel_loop3A_270] {strides = array<i32>} : memref<64x128xf32, #tpu.memory_space<vmem>>, vector<1x16xf32>,
          %parallel_loop3A_272 = vector.shape_cast %parallel_loop3A_271 : vector<1x16xf32> to vector<16xf32>
          %parallel_loop3A_273 = vector.shape_cast %parallel_loop3A_268 : vector<16xf32> to vector<1x16xf32>
          tpu.vector_store %arg13[%parallel_loop3A_269, %parallel_loop3A_270], %parallel_loop3A_273 {strides = array<i32>} : memref<64x128xf32, #tpu.memory_space<vmem>>, vector<1x16xf32>,
          %parallel_loop3A_274 = arith.index_cast %parallel_loop3A_190 : i32 to index
          %parallel_loop3A_275 = arith.constant 112 : index
          %parallel_loop3A_276 = tpu.vector_load %arg11[%parallel_loop3A_274, %parallel_loop3A_275] {strides = array<i32>} : memref<64x128xf32, #tpu.memory_space<vmem>>, vector<1x16xf32>,
          %parallel_loop3A_277 = vector.shape_cast %parallel_loop3A_276 : vector<1x16xf32> to vector<16xf32>
          %parallel_loop3A_278 = vector.broadcast %parallel_loop3A_196 : f32 to vector<16xf32>
          %parallel_loop3A_279 = arith.mulf %parallel_loop3A_278, %parallel_loop3A_277 : vector<16xf32>
          %parallel_loop3A_280 = arith.index_cast %parallel_loop3A_190 : i32 to index
          %parallel_loop3A_281 = arith.constant 112 : index
          %parallel_loop3A_282 = tpu.vector_load %arg13[%parallel_loop3A_280, %parallel_loop3A_281] {strides = array<i32>} : memref<64x128xf32, #tpu.memory_space<vmem>>, vector<1x16xf32>,
          %parallel_loop3A_283 = vector.shape_cast %parallel_loop3A_282 : vector<1x16xf32> to vector<16xf32>
          %parallel_loop3A_284 = vector.shape_cast %parallel_loop3A_279 : vector<16xf32> to vector<1x16xf32>
          tpu.vector_store %arg13[%parallel_loop3A_280, %parallel_loop3A_281], %parallel_loop3A_284 {strides = array<i32>} : memref<64x128xf32, #tpu.memory_space<vmem>>, vector<1x16xf32>,
        } {sc.loop_unroll_factor = 4 : i64, sc.parallel_access}
        %dma_start3A_161 = arith.constant 0 : i32
        %dma_start3A_162 = tpu.memref_slice %arg10[%mul3A_138, %dma_start3A_161] : memref<40x64xi32, #tpu.memory_space<vmem>> -> memref<1x64xi32, #tpu.memory_space<vmem>>
        %dma_start3A_163 = tpu.memref_squeeze %dma_start3A_162 : memref<1x64xi32, #tpu.memory_space<vmem>> -> memref<64xi32, #tpu.memory_space<vmem>>
        %dma_start3A_164 = arith.constant 0 : i32
        %dma_start3A_165 = arith.constant 0 : i32
        %dma_start3A_166 = tpu.memref_slice %arg15[%dma_start3A_164, %dma_start3A_165] : memref<10240x128xf32, #tpu.memory_space<vmem_shared>> -> memref<10240x128xf32, #tpu.memory_space<vmem_shared>>
        tpu.enqueue_indirect_dma source(%arg13 : memref<64x128xf32, #tpu.memory_space<vmem>>) target(%dma_start3A_166 : memref<10240x128xf32, #tpu.memory_space<vmem_shared>>) offsets(%dma_start3A_163 : memref<64xi32, #tpu.memory_space<vmem>>) semaphore(%arg18 : memref<!tpu.dma_semaphore, #tpu.memory_space<semaphore_mem>>) {add = true}
        %add3A_167 = arith.constant 1 : i32
        %add3A_168 = arith.addi %scan3A_136, %add3A_167 : i32
        %lt3A = arith.constant 20 : i32
        %lt3A_169 = arith.cmpi slt, %add3A_168, %lt3A : i32
        %convert_element_type3A_170 = arith.extui %lt3A_169 : i1 to i32
        %cond3A_171 = arith.constant 0 : i32
        %cond3A_172 = arith.cmpi ne, %convert_element_type3A_170, %cond3A_171 : i32
        scf.if %cond3A_172 {
          %add3A_190 = arith.constant 2 : i32
          %add3A_191 = arith.addi %mul3A_138, %add3A_190 : i32
          %mul3A_192 = arith.constant 64 : i32
          %mul3A_193 = arith.muli %add3A_191, %mul3A_192 : i32
          %dma_start3A_194 = tpu.memref_slice %arg8[%mul3A_193] : memref<2560xi32, #tpu.memory_space<vmem>> -> memref<64xi32, #tpu.memory_space<vmem>>
          %dma_start3A_195 = arith.constant 0 : i32
          %dma_start3A_196 = arith.constant 0 : i32
          %dma_start3A_197 = tpu.memref_slice %arg2[%dma_start3A_195, %dma_start3A_196] : memref<10240x128xf32, #tpu.memory_space<hbm>> -> memref<10240x128xf32, #tpu.memory_space<hbm>>
          tpu.enqueue_indirect_dma source(%dma_start3A_197 : memref<10240x128xf32, #tpu.memory_space<hbm>>) target(%arg11 : memref<64x128xf32, #tpu.memory_space<vmem>>) offsets(%dma_start3A_194 : memref<64xi32, #tpu.memory_space<vmem>>) semaphore(%arg16 : memref<!tpu.dma_semaphore, #tpu.memory_space<semaphore_mem>>)
        } else {
        }
        %mul3A_173 = arith.constant 64 : i32
        %mul3A_174 = arith.muli %add3A_140, %mul3A_173 : i32
        %dma_wait3A_175 = tpu.memref_slice %arg8[%mul3A_174] : memref<2560xi32, #tpu.memory_space<vmem>> -> memref<64xi32, #tpu.memory_space<vmem>>
        %dma_wait3A_176 = arith.constant 0 : i32
        %dma_wait3A_177 = arith.constant 0 : i32
        %dma_wait3A_178 = tpu.memref_slice %arg2[%dma_wait3A_176, %dma_wait3A_177] : memref<10240x128xf32, #tpu.memory_space<hbm>> -> memref<10240x128xf32, #tpu.memory_space<hbm>>
        tpu.wait_indirect_dma semaphore(%arg17 : memref<!tpu.dma_semaphore, #tpu.memory_space<semaphore_mem>>) src(%dma_wait3A_178 : memref<10240x128xf32, #tpu.memory_space<hbm>>) dst(%arg12 : memref<64x128xf32, #tpu.memory_space<vmem>>)
        %mul3A_179 = arith.constant 64 : i32
        %mul3A_180 = arith.muli %add3A_140, %mul3A_179 : i32
        %parallel_loop3A_181 = arith.constant 0 : i32
        %parallel_loop3A_182 = arith.constant 64 : i32
        %parallel_loop3A_183 = arith.constant 1 : i32
        scf.for %parallel_loop3A_190 = %parallel_loop3A_181 to %parallel_loop3A_182 step %parallel_loop3A_183  : i32 {
          %parallel_loop3A_191 = arith.addi %mul3A_180, %parallel_loop3A_190 : i32
          %parallel_loop3A_192 = arith.index_cast %parallel_loop3A_191 : i32 to index
          %parallel_loop3A_193 = tpu.vector_load %arg9[%parallel_loop3A_192] {strides = array<i32>} : memref<2576xf32, #tpu.memory_space<vmem>>, vector<16xf32>,
          %parallel_loop3A_194 = vector.shape_cast %parallel_loop3A_193 : vector<16xf32> to vector<16xf32>
          %parallel_loop3A_195 = vector.extract_strided_slice %parallel_loop3A_194 {offsets = [0], sizes = [1], strides = [1]} : vector<16xf32> to vector<1xf32>
          %parallel_loop3A_196 = vector.extract %parallel_loop3A_195[0] : f32 from vector<1xf32>
          %parallel_loop3A_197 = arith.index_cast %parallel_loop3A_190 : i32 to index
          %parallel_loop3A_198 = arith.constant 0 : index
          %parallel_loop3A_199 = tpu.vector_load %arg12[%parallel_loop3A_197, %parallel_loop3A_198] {strides = array<i32>} : memref<64x128xf32, #tpu.memory_space<vmem>>, vector<1x16xf32>,
          %parallel_loop3A_200 = vector.shape_cast %parallel_loop3A_199 : vector<1x16xf32> to vector<16xf32>
          %parallel_loop3A_201 = vector.broadcast %parallel_loop3A_196 : f32 to vector<16xf32>
          %parallel_loop3A_202 = arith.mulf %parallel_loop3A_201, %parallel_loop3A_200 : vector<16xf32>
          %parallel_loop3A_203 = arith.index_cast %parallel_loop3A_190 : i32 to index
          %parallel_loop3A_204 = arith.constant 0 : index
          %parallel_loop3A_205 = tpu.vector_load %arg14[%parallel_loop3A_203, %parallel_loop3A_204] {strides = array<i32>} : memref<64x128xf32, #tpu.memory_space<vmem>>, vector<1x16xf32>,
          %parallel_loop3A_206 = vector.shape_cast %parallel_loop3A_205 : vector<1x16xf32> to vector<16xf32>
          %parallel_loop3A_207 = vector.shape_cast %parallel_loop3A_202 : vector<16xf32> to vector<1x16xf32>
          tpu.vector_store %arg14[%parallel_loop3A_203, %parallel_loop3A_204], %parallel_loop3A_207 {strides = array<i32>} : memref<64x128xf32, #tpu.memory_space<vmem>>, vector<1x16xf32>,
          %parallel_loop3A_208 = arith.index_cast %parallel_loop3A_190 : i32 to index
          %parallel_loop3A_209 = arith.constant 16 : index
          %parallel_loop3A_210 = tpu.vector_load %arg12[%parallel_loop3A_208, %parallel_loop3A_209] {strides = array<i32>} : memref<64x128xf32, #tpu.memory_space<vmem>>, vector<1x16xf32>,
          %parallel_loop3A_211 = vector.shape_cast %parallel_loop3A_210 : vector<1x16xf32> to vector<16xf32>
          %parallel_loop3A_212 = vector.broadcast %parallel_loop3A_196 : f32 to vector<16xf32>
          %parallel_loop3A_213 = arith.mulf %parallel_loop3A_212, %parallel_loop3A_211 : vector<16xf32>
          %parallel_loop3A_214 = arith.index_cast %parallel_loop3A_190 : i32 to index
          %parallel_loop3A_215 = arith.constant 16 : index
          %parallel_loop3A_216 = tpu.vector_load %arg14[%parallel_loop3A_214, %parallel_loop3A_215] {strides = array<i32>} : memref<64x128xf32, #tpu.memory_space<vmem>>, vector<1x16xf32>,
          %parallel_loop3A_217 = vector.shape_cast %parallel_loop3A_216 : vector<1x16xf32> to vector<16xf32>
          %parallel_loop3A_218 = vector.shape_cast %parallel_loop3A_213 : vector<16xf32> to vector<1x16xf32>
          tpu.vector_store %arg14[%parallel_loop3A_214, %parallel_loop3A_215], %parallel_loop3A_218 {strides = array<i32>} : memref<64x128xf32, #tpu.memory_space<vmem>>, vector<1x16xf32>,
          %parallel_loop3A_219 = arith.index_cast %parallel_loop3A_190 : i32 to index
          %parallel_loop3A_220 = arith.constant 32 : index
          %parallel_loop3A_221 = tpu.vector_load %arg12[%parallel_loop3A_219, %parallel_loop3A_220] {strides = array<i32>} : memref<64x128xf32, #tpu.memory_space<vmem>>, vector<1x16xf32>,
          %parallel_loop3A_222 = vector.shape_cast %parallel_loop3A_221 : vector<1x16xf32> to vector<16xf32>
          %parallel_loop3A_223 = vector.broadcast %parallel_loop3A_196 : f32 to vector<16xf32>
          %parallel_loop3A_224 = arith.mulf %parallel_loop3A_223, %parallel_loop3A_222 : vector<16xf32>
          %parallel_loop3A_225 = arith.index_cast %parallel_loop3A_190 : i32 to index
          %parallel_loop3A_226 = arith.constant 32 : index
          %parallel_loop3A_227 = tpu.vector_load %arg14[%parallel_loop3A_225, %parallel_loop3A_226] {strides = array<i32>} : memref<64x128xf32, #tpu.memory_space<vmem>>, vector<1x16xf32>,
          %parallel_loop3A_228 = vector.shape_cast %parallel_loop3A_227 : vector<1x16xf32> to vector<16xf32>
          %parallel_loop3A_229 = vector.shape_cast %parallel_loop3A_224 : vector<16xf32> to vector<1x16xf32>
          tpu.vector_store %arg14[%parallel_loop3A_225, %parallel_loop3A_226], %parallel_loop3A_229 {strides = array<i32>} : memref<64x128xf32, #tpu.memory_space<vmem>>, vector<1x16xf32>,
          %parallel_loop3A_230 = arith.index_cast %parallel_loop3A_190 : i32 to index
          %parallel_loop3A_231 = arith.constant 48 : index
          %parallel_loop3A_232 = tpu.vector_load %arg12[%parallel_loop3A_230, %parallel_loop3A_231] {strides = array<i32>} : memref<64x128xf32, #tpu.memory_space<vmem>>, vector<1x16xf32>,
          %parallel_loop3A_233 = vector.shape_cast %parallel_loop3A_232 : vector<1x16xf32> to vector<16xf32>
          %parallel_loop3A_234 = vector.broadcast %parallel_loop3A_196 : f32 to vector<16xf32>
          %parallel_loop3A_235 = arith.mulf %parallel_loop3A_234, %parallel_loop3A_233 : vector<16xf32>
          %parallel_loop3A_236 = arith.index_cast %parallel_loop3A_190 : i32 to index
          %parallel_loop3A_237 = arith.constant 48 : index
          %parallel_loop3A_238 = tpu.vector_load %arg14[%parallel_loop3A_236, %parallel_loop3A_237] {strides = array<i32>} : memref<64x128xf32, #tpu.memory_space<vmem>>, vector<1x16xf32>,
          %parallel_loop3A_239 = vector.shape_cast %parallel_loop3A_238 : vector<1x16xf32> to vector<16xf32>
          %parallel_loop3A_240 = vector.shape_cast %parallel_loop3A_235 : vector<16xf32> to vector<1x16xf32>
          tpu.vector_store %arg14[%parallel_loop3A_236, %parallel_loop3A_237], %parallel_loop3A_240 {strides = array<i32>} : memref<64x128xf32, #tpu.memory_space<vmem>>, vector<1x16xf32>,
          %parallel_loop3A_241 = arith.index_cast %parallel_loop3A_190 : i32 to index
          %parallel_loop3A_242 = arith.constant 64 : index
          %parallel_loop3A_243 = tpu.vector_load %arg12[%parallel_loop3A_241, %parallel_loop3A_242] {strides = array<i32>} : memref<64x128xf32, #tpu.memory_space<vmem>>, vector<1x16xf32>,
          %parallel_loop3A_244 = vector.shape_cast %parallel_loop3A_243 : vector<1x16xf32> to vector<16xf32>
          %parallel_loop3A_245 = vector.broadcast %parallel_loop3A_196 : f32 to vector<16xf32>
          %parallel_loop3A_246 = arith.mulf %parallel_loop3A_245, %parallel_loop3A_244 : vector<16xf32>
          %parallel_loop3A_247 = arith.index_cast %parallel_loop3A_190 : i32 to index
          %parallel_loop3A_248 = arith.constant 64 : index
          %parallel_loop3A_249 = tpu.vector_load %arg14[%parallel_loop3A_247, %parallel_loop3A_248] {strides = array<i32>} : memref<64x128xf32, #tpu.memory_space<vmem>>, vector<1x16xf32>,
          %parallel_loop3A_250 = vector.shape_cast %parallel_loop3A_249 : vector<1x16xf32> to vector<16xf32>
          %parallel_loop3A_251 = vector.shape_cast %parallel_loop3A_246 : vector<16xf32> to vector<1x16xf32>
          tpu.vector_store %arg14[%parallel_loop3A_247, %parallel_loop3A_248], %parallel_loop3A_251 {strides = array<i32>} : memref<64x128xf32, #tpu.memory_space<vmem>>, vector<1x16xf32>,
          %parallel_loop3A_252 = arith.index_cast %parallel_loop3A_190 : i32 to index
          %parallel_loop3A_253 = arith.constant 80 : index
          %parallel_loop3A_254 = tpu.vector_load %arg12[%parallel_loop3A_252, %parallel_loop3A_253] {strides = array<i32>} : memref<64x128xf32, #tpu.memory_space<vmem>>, vector<1x16xf32>,
          %parallel_loop3A_255 = vector.shape_cast %parallel_loop3A_254 : vector<1x16xf32> to vector<16xf32>
          %parallel_loop3A_256 = vector.broadcast %parallel_loop3A_196 : f32 to vector<16xf32>
          %parallel_loop3A_257 = arith.mulf %parallel_loop3A_256, %parallel_loop3A_255 : vector<16xf32>
          %parallel_loop3A_258 = arith.index_cast %parallel_loop3A_190 : i32 to index
          %parallel_loop3A_259 = arith.constant 80 : index
          %parallel_loop3A_260 = tpu.vector_load %arg14[%parallel_loop3A_258, %parallel_loop3A_259] {strides = array<i32>} : memref<64x128xf32, #tpu.memory_space<vmem>>, vector<1x16xf32>,
          %parallel_loop3A_261 = vector.shape_cast %parallel_loop3A_260 : vector<1x16xf32> to vector<16xf32>
          %parallel_loop3A_262 = vector.shape_cast %parallel_loop3A_257 : vector<16xf32> to vector<1x16xf32>
          tpu.vector_store %arg14[%parallel_loop3A_258, %parallel_loop3A_259], %parallel_loop3A_262 {strides = array<i32>} : memref<64x128xf32, #tpu.memory_space<vmem>>, vector<1x16xf32>,
          %parallel_loop3A_263 = arith.index_cast %parallel_loop3A_190 : i32 to index
          %parallel_loop3A_264 = arith.constant 96 : index
          %parallel_loop3A_265 = tpu.vector_load %arg12[%parallel_loop3A_263, %parallel_loop3A_264] {strides = array<i32>} : memref<64x128xf32, #tpu.memory_space<vmem>>, vector<1x16xf32>,
          %parallel_loop3A_266 = vector.shape_cast %parallel_loop3A_265 : vector<1x16xf32> to vector<16xf32>
          %parallel_loop3A_267 = vector.broadcast %parallel_loop3A_196 : f32 to vector<16xf32>
          %parallel_loop3A_268 = arith.mulf %parallel_loop3A_267, %parallel_loop3A_266 : vector<16xf32>
          %parallel_loop3A_269 = arith.index_cast %parallel_loop3A_190 : i32 to index
          %parallel_loop3A_270 = arith.constant 96 : index
          %parallel_loop3A_271 = tpu.vector_load %arg14[%parallel_loop3A_269, %parallel_loop3A_270] {strides = array<i32>} : memref<64x128xf32, #tpu.memory_space<vmem>>, vector<1x16xf32>,
          %parallel_loop3A_272 = vector.shape_cast %parallel_loop3A_271 : vector<1x16xf32> to vector<16xf32>
          %parallel_loop3A_273 = vector.shape_cast %parallel_loop3A_268 : vector<16xf32> to vector<1x16xf32>
          tpu.vector_store %arg14[%parallel_loop3A_269, %parallel_loop3A_270], %parallel_loop3A_273 {strides = array<i32>} : memref<64x128xf32, #tpu.memory_space<vmem>>, vector<1x16xf32>,
          %parallel_loop3A_274 = arith.index_cast %parallel_loop3A_190 : i32 to index
          %parallel_loop3A_275 = arith.constant 112 : index
          %parallel_loop3A_276 = tpu.vector_load %arg12[%parallel_loop3A_274, %parallel_loop3A_275] {strides = array<i32>} : memref<64x128xf32, #tpu.memory_space<vmem>>, vector<1x16xf32>,
          %parallel_loop3A_277 = vector.shape_cast %parallel_loop3A_276 : vector<1x16xf32> to vector<16xf32>
          %parallel_loop3A_278 = vector.broadcast %parallel_loop3A_196 : f32 to vector<16xf32>
          %parallel_loop3A_279 = arith.mulf %parallel_loop3A_278, %parallel_loop3A_277 : vector<16xf32>
          %parallel_loop3A_280 = arith.index_cast %parallel_loop3A_190 : i32 to index
          %parallel_loop3A_281 = arith.constant 112 : index
          %parallel_loop3A_282 = tpu.vector_load %arg14[%parallel_loop3A_280, %parallel_loop3A_281] {strides = array<i32>} : memref<64x128xf32, #tpu.memory_space<vmem>>, vector<1x16xf32>,
          %parallel_loop3A_283 = vector.shape_cast %parallel_loop3A_282 : vector<1x16xf32> to vector<16xf32>
          %parallel_loop3A_284 = vector.shape_cast %parallel_loop3A_279 : vector<16xf32> to vector<1x16xf32>
          tpu.vector_store %arg14[%parallel_loop3A_280, %parallel_loop3A_281], %parallel_loop3A_284 {strides = array<i32>} : memref<64x128xf32, #tpu.memory_space<vmem>>, vector<1x16xf32>,
        } {sc.loop_unroll_factor = 4 : i64, sc.parallel_access}
        %dma_start3A_184 = arith.constant 0 : i32
        %dma_start3A_185 = tpu.memref_slice %arg10[%add3A_140, %dma_start3A_184] : memref<40x64xi32, #tpu.memory_space<vmem>> -> memref<1x64xi32, #tpu.memory_space<vmem>>
        %dma_start3A_186 = tpu.memref_squeeze %dma_start3A_185 : memref<1x64xi32, #tpu.memory_space<vmem>> -> memref<64xi32, #tpu.memory_space<vmem>>
        %dma_start3A_187 = arith.constant 0 : i32
        %dma_start3A_188 = arith.constant 0 : i32
        %dma_start3A_189 = tpu.memref_slice %arg15[%dma_start3A_187, %dma_start3A_188] : memref<10240x128xf32, #tpu.memory_space<vmem_shared>> -> memref<10240x128xf32, #tpu.memory_space<vmem_shared>>
        tpu.enqueue_indirect_dma source(%arg14 : memref<64x128xf32, #tpu.memory_space<vmem>>) target(%dma_start3A_189 : memref<10240x128xf32, #tpu.memory_space<vmem_shared>>) offsets(%dma_start3A_186 : memref<64xi32, #tpu.memory_space<vmem>>) semaphore(%arg18 : memref<!tpu.dma_semaphore, #tpu.memory_space<semaphore_mem>>) {add = true}
      }
      %scan3A_121 = arith.constant 20 : i32
      %dma_wait3A_122 = arith.constant 0 : i32
      %dma_wait3A_123 = arith.constant 0 : i32
      %dma_wait3A_124 = tpu.memref_slice %arg10[%dma_wait3A_122, %dma_wait3A_123] : memref<40x64xi32, #tpu.memory_space<vmem>> -> memref<1x64xi32, #tpu.memory_space<vmem>>
      %dma_wait3A_125 = tpu.memref_squeeze %dma_wait3A_124 : memref<1x64xi32, #tpu.memory_space<vmem>> -> memref<64xi32, #tpu.memory_space<vmem>>
      %dma_wait3A_126 = arith.constant 0 : i32
      %dma_wait3A_127 = arith.constant 0 : i32
      %dma_wait3A_128 = tpu.memref_slice %arg15[%dma_wait3A_126, %dma_wait3A_127] : memref<10240x128xf32, #tpu.memory_space<vmem_shared>> -> memref<10240x128xf32, #tpu.memory_space<vmem_shared>>
      tpu.wait_indirect_dma semaphore(%arg18 : memref<!tpu.dma_semaphore, #tpu.memory_space<semaphore_mem>>) src(%arg13 : memref<64x128xf32, #tpu.memory_space<vmem>>) dst(%dma_wait3A_128 : memref<10240x128xf32, #tpu.memory_space<vmem_shared>>)
      %dma_wait3A_129 = arith.constant 0 : i32
      %dma_wait3A_130 = arith.constant 0 : i32
      %dma_wait3A_131 = tpu.memref_slice %arg10[%dma_wait3A_129, %dma_wait3A_130] : memref<40x64xi32, #tpu.memory_space<vmem>> -> memref<1x64xi32, #tpu.memory_space<vmem>>
      %dma_wait3A_132 = tpu.memref_squeeze %dma_wait3A_131 : memref<1x64xi32, #tpu.memory_space<vmem>> -> memref<64xi32, #tpu.memory_space<vmem>>
      %dma_wait3A_133 = arith.constant 0 : i32
      %dma_wait3A_134 = arith.constant 0 : i32
      %dma_wait3A_135 = tpu.memref_slice %arg15[%dma_wait3A_133, %dma_wait3A_134] : memref<10240x128xf32, #tpu.memory_space<vmem_shared>> -> memref<10240x128xf32, #tpu.memory_space<vmem_shared>>
      tpu.wait_indirect_dma semaphore(%arg18 : memref<!tpu.dma_semaphore, #tpu.memory_space<semaphore_mem>>) src(%arg13 : memref<64x128xf32, #tpu.memory_space<vmem>>) dst(%dma_wait3A_135 : memref<10240x128xf32, #tpu.memory_space<vmem_shared>>)
      "tpu.trace_stop"() : () -> ()
    }
    %scan3A_52 = arith.constant 4 : i32
    "tpu.trace_stop"() : () -> ()
    %barrier3A_53 = arith.constant 0 : index
    tpu.barrier barrier_id(%barrier3A_53)
    %eq3A = arith.constant 0 : i32
    "tpu.trace_start"() <{level = 10 : i32, message = "writeback"}> : () -> ()
    %eq3A_54 = arith.cmpi eq, %arg0, %eq3A : i32
    %convert_element_type3A = arith.extui %eq3A_54 : i1 to i32
    %cond3A = arith.constant 0 : i32
    %cond3A_55 = arith.cmpi ne, %convert_element_type3A, %cond3A : i32
    scf.if %cond3A_55 {
      %mul3A_61 = arith.constant 640 : i32
      %mul3A_62 = arith.muli %arg1, %mul3A_61 : i32
      %mul3A_63 = arith.constant 640 : i32
      %mul3A_64 = arith.muli %arg1, %mul3A_63 : i32
      "tpu.region"() ({
        %run_scoped3A = tpu.sem_alloc : memref<!tpu.dma_semaphore, #tpu.memory_space<semaphore_mem>>
        %dma_start3A = arith.constant 0 : i32
        %dma_start3A_65 = tpu.memref_slice %arg6[%mul3A_64, %dma_start3A] : memref<10240x128xf32, #tpu.memory_space<hbm>> -> memref<640x128xf32, #tpu.memory_space<hbm>>
        %dma_start3A_66 = arith.constant 0 : i32
        %dma_start3A_67 = tpu.memref_slice %arg15[%mul3A_62, %dma_start3A_66] : memref<10240x128xf32, #tpu.memory_space<vmem_shared>> -> memref<640x128xf32, #tpu.memory_space<vmem_shared>>
        tpu.enqueue_dma source(%dma_start3A_67 : memref<640x128xf32, #tpu.memory_space<vmem_shared>>) target(%dma_start3A_65 : memref<640x128xf32, #tpu.memory_space<hbm>>) target_semaphore(%run_scoped3A : memref<!tpu.dma_semaphore, #tpu.memory_space<semaphore_mem>>)
        %dma_wait3A = arith.constant 0 : i32
        %dma_wait3A_68 = tpu.memref_slice %arg6[%mul3A_64, %dma_wait3A] : memref<10240x128xf32, #tpu.memory_space<hbm>> -> memref<640x128xf32, #tpu.memory_space<hbm>>
        %dma_wait3A_69 = arith.constant 0 : i32
        %dma_wait3A_70 = tpu.memref_slice %arg15[%mul3A_62, %dma_wait3A_69] : memref<10240x128xf32, #tpu.memory_space<vmem_shared>> -> memref<640x128xf32, #tpu.memory_space<vmem_shared>>
        tpu.wait_dma2 semaphore(%run_scoped3A : memref<!tpu.dma_semaphore, #tpu.memory_space<semaphore_mem>>) src(%dma_wait3A_70 : memref<640x128xf32, #tpu.memory_space<vmem_shared>>) dst(%dma_wait3A_68 : memref<640x128xf32, #tpu.memory_space<hbm>>)
        tpu.yield
      }) : () -> ()
    } else {
    }
    %eq3A_56 = arith.constant 1 : i32
    %eq3A_57 = arith.cmpi eq, %arg0, %eq3A_56 : i32
    %convert_element_type3A_58 = arith.extui %eq3A_57 : i1 to i32
    %cond3A_59 = arith.constant 0 : i32
    %cond3A_60 = arith.cmpi ne, %convert_element_type3A_58, %cond3A_59 : i32
    scf.if %cond3A_60 {
      %mul3A_61 = arith.constant 640 : i32
      %mul3A_62 = arith.muli %arg1, %mul3A_61 : i32
      %mul3A_63 = arith.constant 640 : i32
      %mul3A_64 = arith.muli %arg1, %mul3A_63 : i32
      "tpu.region"() ({
        %run_scoped3A = tpu.sem_alloc : memref<!tpu.dma_semaphore, #tpu.memory_space<semaphore_mem>>
        %dma_start3A = arith.constant 0 : i32
        %dma_start3A_65 = tpu.memref_slice %arg7[%mul3A_64, %dma_start3A] : memref<10240x128xf32, #tpu.memory_space<hbm>> -> memref<640x128xf32, #tpu.memory_space<hbm>>
        %dma_start3A_66 = arith.constant 0 : i32
        %dma_start3A_67 = tpu.memref_slice %arg15[%mul3A_62, %dma_start3A_66] : memref<10240x128xf32, #tpu.memory_space<vmem_shared>> -> memref<640x128xf32, #tpu.memory_space<vmem_shared>>
        tpu.enqueue_dma source(%dma_start3A_67 : memref<640x128xf32, #tpu.memory_space<vmem_shared>>) target(%dma_start3A_65 : memref<640x128xf32, #tpu.memory_space<hbm>>) target_semaphore(%run_scoped3A : memref<!tpu.dma_semaphore, #tpu.memory_space<semaphore_mem>>)
        %dma_wait3A = arith.constant 0 : i32
        %dma_wait3A_68 = tpu.memref_slice %arg7[%mul3A_64, %dma_wait3A] : memref<10240x128xf32, #tpu.memory_space<hbm>> -> memref<640x128xf32, #tpu.memory_space<hbm>>
        %dma_wait3A_69 = arith.constant 0 : i32
        %dma_wait3A_70 = tpu.memref_slice %arg15[%mul3A_62, %dma_wait3A_69] : memref<10240x128xf32, #tpu.memory_space<vmem_shared>> -> memref<640x128xf32, #tpu.memory_space<vmem_shared>>
        tpu.wait_dma2 semaphore(%run_scoped3A : memref<!tpu.dma_semaphore, #tpu.memory_space<semaphore_mem>>) src(%dma_wait3A_70 : memref<640x128xf32, #tpu.memory_space<vmem_shared>>) dst(%dma_wait3A_68 : memref<640x128xf32, #tpu.memory_space<hbm>>)
        tpu.yield
      }) : () -> ()
    } else {
    }
    "tpu.trace_stop"() : () -> ()
    return
  }
}

module attributes {stable_mosaic.version = 14 : i64} {
  func.func @_tc_combine_body(%arg0: i32, %arg1: memref<1280x128xf32, #tpu.memory_space<vmem>>, %arg2: memref<1280x128xf32, #tpu.memory_space<vmem>>, %arg3: memref<1280x128xf32, #tpu.memory_space<vmem>>, %arg4: memref<1280x128xf32, #tpu.memory_space<vmem>>, %arg5: memref<1280x128xf32, #tpu.memory_space<vmem>>) attributes {dimension_semantics = [#tpu.dimension_semantics<arbitrary>], iteration_bounds = array<i64: 8>, scalar_prefetch = 0 : i64, scratch_operands = 0 : i64, tpu.core_type = #tpu.core_type<tc>, window_params = [{transform_indices = @transform_0, window_bounds = array<i64: 1280, 128>}, {transform_indices = @transform_1, window_bounds = array<i64: 1280, 128>}, {transform_indices = @transform_2, window_bounds = array<i64: 1280, 128>}, {transform_indices = @transform_3, window_bounds = array<i64: 1280, 128>}, {transform_indices = @transform_4, window_bounds = array<i64: 1280, 128>}]} {
    %get3A = arith.constant 0 : index
    %get3A_0 = arith.constant 0 : index
    %get3A_1 = vector.load %arg1[%get3A, %get3A_0] : memref<1280x128xf32, #tpu.memory_space<vmem>>, vector<1280x128xf32>
    %get3A_2 = arith.constant 0 : index
    %get3A_3 = arith.constant 0 : index
    %get3A_4 = vector.load %arg2[%get3A_2, %get3A_3] : memref<1280x128xf32, #tpu.memory_space<vmem>>, vector<1280x128xf32>
    %add3A = arith.addf %get3A_1, %get3A_4 : vector<1280x128xf32>
    %swap3A = arith.constant 0 : index
    %swap3A_5 = arith.constant 0 : index
    %swap3A_6 = vector.load %arg4[%swap3A, %swap3A_5] : memref<1280x128xf32, #tpu.memory_space<vmem>>, vector<1280x128xf32>
    tpu.vector_store %arg4[%swap3A, %swap3A_5], %add3A {strides = array<i32>} : memref<1280x128xf32, #tpu.memory_space<vmem>>, vector<1280x128xf32>,
    %get3A_7 = arith.constant 0 : index
    %get3A_8 = arith.constant 0 : index
    %get3A_9 = vector.load %arg3[%get3A_7, %get3A_8] : memref<1280x128xf32, #tpu.memory_space<vmem>>, vector<1280x128xf32>
    %add3A_10 = arith.addf %get3A_9, %add3A : vector<1280x128xf32>
    %swap3A_11 = arith.constant 0 : index
    %swap3A_12 = arith.constant 0 : index
    %swap3A_13 = vector.load %arg5[%swap3A_11, %swap3A_12] : memref<1280x128xf32, #tpu.memory_space<vmem>>, vector<1280x128xf32>
    tpu.vector_store %arg5[%swap3A_11, %swap3A_12], %add3A_10 {strides = array<i32>} : memref<1280x128xf32, #tpu.memory_space<vmem>>, vector<1280x128xf32>,
    return
  }
  func.func @transform_0(%arg0: i32) -> (i32, i32) {
    %c0_i32 = arith.constant 0 : i32
    %c0_i32_0 = arith.constant 0 : i32
    return %arg0, %c0_i32 : i32, i32
  }
  func.func @transform_1(%arg0: i32) -> (i32, i32) {
    %c0_i32 = arith.constant 0 : i32
    %c0_i32_0 = arith.constant 0 : i32
    return %arg0, %c0_i32 : i32, i32
  }
  func.func @transform_2(%arg0: i32) -> (i32, i32) {
    %c0_i32 = arith.constant 0 : i32
    %c0_i32_0 = arith.constant 0 : i32
    return %arg0, %c0_i32 : i32, i32
  }
  func.func @transform_3(%arg0: i32) -> (i32, i32) {
    %c0_i32 = arith.constant 0 : i32
    %c0_i32_0 = arith.constant 0 : i32
    return %arg0, %c0_i32 : i32, i32
  }
  func.func @transform_4(%arg0: i32) -> (i32, i32) {
    %c0_i32 = arith.constant 0 : i32
    %c0_i32_0 = arith.constant 0 : i32
    return %arg0, %c0_i32 : i32, i32
  }
}

</mosaic_0001>

<sc_bundles>
// kernel: body.8.cloned.1.call-start
scs
__scs_entry_jumppad:
0x0: {  	(pc) =	sbr.rel $0x88, $3  }
0x1: {  	(tag) =	ssettag $0x0;
	lr =	simm.s32 $0x1  }
0x2: {  	[smem:$0x3F9B] =	sst lr;
	_ =	strace $0xD0000000  }
0x3: {  	_ = 	snop  }
0x4: {  	_ = 	snop  }
0x5: {  	_ = 	snop  }
0x6: {  	_ = 	snop  }
0x7: {  	_ = 	snop  }
__scs_overlays_trampoline_lowered:
0x8: {  	[smem:$0x3FAA] =	sst s0  }
0x9: {  	[smem:$0x3FAB] =	sst s1  }
0xa: {  	[smem:$0x3FAC] =	sst s2  }
0xb: {  	[smem:$0x3FAD] =	sst s3  }
0xc: {  	[smem:$0x3FAE] =	sst s4  }
0xd: {  	[smem:$0x3FAF] =	sst s5  }
0xe: {  	[smem:$0x3FB0] =	sst s6  }
0xf: {  	[smem:$0x3FB1] =	sst s7  }
0x10: {  	[smem:$0x3FB2] =	sst s8  }
0x11: {  	[smem:$0x3FB3] =	sst s9;
	s0 =	simm.s32 @!p0 $0x0  }
0x12: {  	s1 =	sld [smem:$0x3F99];
	s0 =	simm.s32 @p0 $0x1  }
0x13: {  	[smem:$0x3FB4] =	sst s0;
	s0 =	simm.s32 @!p1 $0x0  }
0x14: {  	s2 =	sld [smem:$0x3F98];
	s0 =	simm.s32 @p1 $0x1  }
0x15: {  	[smem:$0x3FB5] =	sst s0;
	s0 =	simm.s32 @!p2 $0x0  }
0x16: {  	s3 =	sld [smem:$0x3FDB];
	s0 =	simm.s32 @p2 $0x1  }
0x17: {  	s4 =	simm.s32 $0x1BF5;
	[smem:$0x3FB7] =	sst s0  }
0x18: {  	s0 =	sld [smem:$0x3F9A];
	_ =	swait.ge [sflag:s4], $0x0  }
0x19: {  	s7 =	sld [smem:$0x3F9B]  }
0x1a: {  	s8 =	sadd.s32 $0xFFFFE003, lr  }
0x1b: {  	s9 =	sadd.s32 $0xFFFFFEF7, lr;
	s5 =	simm.s32 $0xFFFFFFFF;
	p2 =	slt.u32 s8, $0xFFFFF086  }
0x1c: {  	p1 =	slt.u32 s9, $0xF7A;
	s5 =	simm.s32 @!p2 $0x0  }
0x1d: {  	s5 =	simm.s32 @p1 $0x1;
	p0 =	seq.s32 s7, s2  }
0x1e: {  	s7 =	smul.u32 @!p0 $0xF7A, s2;
	p2 =	seq.s32 @!p0 s5, $0x0  }
0x1f: {  	s9 =	smul.u32 $0xF7A, s1;
	s8 =	simm.s32 @!p0 $0x1BF5;
	p2 =	por !p2, p0  }
0x20: {  	[sflag:s8] =	ssyncset.s32 @!p0 $0xFFFFF086;
	s6 =	sadd.s32 @!p0 s3, s7;
	s7 =	simm.s32 @!p0 $0x108  }
0x21: {  	s3 =	sadd.s32 s3, s9;
	s6 =	sadd.s32 @!p0 $0x88, s6;
	s7 =	simm.s32 @p2 $0x1082  }
0x22: {  	[simem:s7], [sflag:s8] =	dma.local @!p0 [hbm:s6], $0xF7A  }
0x23: {  	s9 =	sor.u32 $0xD0000000, s2;
	s6 =	simm.s32 $0x108;
	_ =	swait.ge @!p0 [sflag:s8], $0x0  }
0x24: {  	s3 =	sadd.s32 $0x88, s3;
	s6 =	simm.s32 @!p1 $0x1082;
	[sflag:s4] =	ssyncset.s32 $0xFFFFF086  }
0x25: {  	[simem:s6], [sflag:s4] =	dma.local [hbm:s3], $0xF7A  }
0x26: {  	[smem:$0x3F9B] =	sst s1;
	(tag) =	ssettag s2;
	_ =	strace s9  }
0x27: {  	s1 =	sld [smem:$0x3FAB]  }
0x28: {  	s2 =	sld [smem:$0x3FAC]  }
0x29: {  	s4 =	sld [smem:$0x3FAE]  }
0x2a: {  	p0 =	seq.s32 s5, $0x0;
	s5 =	sld [smem:$0x3FAF]  }
0x2b: {  	s6 =	sld [smem:$0x3FB0]  }
0x2c: {  	s7 =	sld [smem:$0x3FB1]  }
0x2d: {  	s3 =	simm.s32 $0x108;
	s8 =	sld [smem:$0x3FB2]  }
0x2e: {  	s3 =	simm.s32 @!p0 $0x1082;
	s9 =	sld [smem:$0x3FB3]  }
0x2f: {  	lr =	sadd.s32 s0, s3;
	s0 =	sld [smem:$0x3FAA]  }
0x30: {  	s3 =	sld [smem:$0x3FAD]  }
0x31: {  	[smem:$0x3FB6] =	sst s10  }
0x32: {  	s10 =	sld [smem:$0x3FB4];
	_ =	sdelay $0x3  }
0x33: {  	p0 =	seq.s32 s10, $0x1;
	s10 =	sld [smem:$0x3FB6];
	_ =	sdelay $0x3  }
0x34: {  	[smem:$0x3FB6] =	sst s10  }
0x35: {  	s10 =	sld [smem:$0x3FB5];
	_ =	sdelay $0x3  }
0x36: {  	p1 =	seq.s32 s10, $0x1;
	s10 =	sld [smem:$0x3FB6];
	_ =	sdelay $0x3  }
0x37: {  	[smem:$0x3FB6] =	sst s10  }
0x38: {  	s10 =	sld [smem:$0x3FB7]  }
0x39: {  	_ = 	snop;
	(pc) =	sbr.ind lr, $3  }
0x3a: {  	_ = 	snop  }
0x3b: {  	_ = 	snop  }
0x3c: {  	p2 =	seq.s32 s10, $0x1;
	s10 =	sld [smem:$0x3FB6]  }
0x3d: {  	_ =	shalt  }
0x3e: {  	_ =	shalt  }
0x3f: {  	_ =	shalt  }
0x40: {  	_ =	shalt  }
0x41: {  	_ =	shalt  }
0x42: {  	_ =	shalt  }
0x43: {  	_ =	shalt  }
0x44: {  	_ =	shalt  }
0x45: {  	_ =	shalt  }
0x46: {  	_ =	shalt  }
0x47: {  	_ =	shalt  }
0x48: {  	_ =	shalt  }
0x49: {  	_ =	shalt  }
0x4a: {  	_ =	shalt  }
0x4b: {  	_ =	shalt  }
0x4c: {  	_ =	shalt  }
0x4d: {  	_ =	shalt  }
0x4e: {  	_ =	shalt  }
0x4f: {  	_ =	shalt  }
0x50: {  	_ =	shalt  }
0x51: {  	_ =	shalt  }
0x52: {  	_ =	shalt  }
0x53: {  	_ =	shalt  }
0x54: {  	_ =	shalt  }
0x55: {  	_ =	shalt  }
0x56: {  	_ =	shalt  }
0x57: {  	_ =	shalt  }
0x58: {  	_ =	shalt  }
0x59: {  	_ =	shalt  }
0x5a: {  	_ =	shalt  }
0x5b: {  	_ =	shalt  }
0x5c: {  	_ =	shalt  }
0x5d: {  	_ =	shalt  }
0x5e: {  	_ =	shalt  }
0x5f: {  	_ =	shalt  }
0x60: {  	_ =	shalt  }
0x61: {  	_ =	shalt  }
0x62: {  	_ =	shalt  }
0x63: {  	_ =	shalt  }
0x64: {  	_ =	shalt  }
0x65: {  	_ =	shalt  }
0x66: {  	_ =	shalt  }
0x67: {  	_ =	shalt  }
0x68: {  	_ =	shalt  }
0x69: {  	_ =	shalt  }
0x6a: {  	_ =	shalt  }
0x6b: {  	_ =	shalt  }
0x6c: {  	_ =	shalt  }
0x6d: {  	_ =	shalt  }
0x6e: {  	_ =	shalt  }
0x6f: {  	_ =	shalt  }
0x70: {  	_ =	shalt  }
0x71: {  	_ =	shalt  }
0x72: {  	_ =	shalt  }
0x73: {  	_ =	shalt  }
0x74: {  	_ =	shalt  }
0x75: {  	_ =	shalt  }
0x76: {  	_ =	shalt  }
0x77: {  	_ =	shalt  }
0x78: {  	_ =	shalt  }
0x79: {  	_ =	shalt  }
0x7a: {  	_ =	shalt  }
0x7b: {  	_ =	shalt  }
0x7c: {  	_ =	shalt  }
0x7d: {  	_ =	shalt  }
0x7e: {  	_ =	shalt  }
0x7f: {  	_ =	shalt  }
0x80: {  	_ =	shalt  }
0x81: {  	_ =	shalt  }
0x82: {  	_ =	shalt  }
0x83: {  	_ =	shalt  }
0x84: {  	_ =	shalt  }
0x85: {  	_ =	shalt  }
0x86: {  	_ =	shalt  }
0x87: {  	_ =	shalt  }
.Lfunc_end0:
.L_simem_size_0:
called_computation_lowered:
.L_overlay_start_0:
0x88: {  	s2 =	sld [smem:$0x3FD9]  }
0x89: {  	s3 =	sld [smem:$0x3FFE];
	_ =	sdelay $0x1  }
0x8a: {  	s1 =	srdreg.scid  }
0x8b: {  	s0 =	sand.u32 $0x1, s1  }
0x8c: {  	s14 =	sshll.u32 s0, $0xA;
	s2 =	sadd.s32 s3, s2  }
0x8d: {  	s2 =	sadd.s32 s2, s14  }
0x8e: {  	[smem:$0x3FC2] =	sst s2  }
0x8f: {  	_ = 	snop  }
0x90: {  	s2 =	sld [smem:$0x3FD0];
	_ =	sdelay $0x2  }
0x91: {  	s15 =	simm.s32 $0xA;
	s4 =	simm.s32 $0x10  }
0x92: {  	[smem:s4], [sflag:s15] =	dma.local [hbm:s2], $0x1  }
0x93: {  	_ =	swait.eq [sflag:s15], $0x1  }
0x94: {  	[sflag:s15] =	ssyncset.done $0x0  }
0x95: {  	s16 =	sld [smem:$0x10];
	[sflag:s15] =	ssyncadd.s32 $0xFFFFFFFF  }
0x96: {  	s17 =	sld [smem:$0x11];
	(tm) =	ssettm $0x1  }
0x97: {  	s18 =	sld [smem:$0x3FFB];
	_ =	sdelay $0x3  }
0x98: {  	_ =	strace s18  }
0x99: {  	s4 =	sld [smem:$0x3FFC];
	_ =	sdelay $0x3  }
0x9a: {  	_ =	strace s4  }
0x9b: {  	s4 =	sld [smem:$0x3FFD];
	_ =	sdelay $0x3  }
0x9c: {  	_ =	strace s4  }
0x9d: {  	_ =	strace $0x8FFFFFFF  }
0x9e: {  	s19 =	sld [smem:$0x3FDB];
	_ =	sdelay $0x1  }
0x9f: {  	s5 =	simm.s32 $_scs_section_size  }
0xa0: {  	s6 =	simm.s32 $_size__tile_overlayer_lowered;
	s7 =	simm.s32 $_tile_overlayer_lowered  }
0xa1: {  	s22 =	simm.s32 $0x1BFF;
	s21 =	sshll.u32 s7, $0x1;
	s4 =	sadd.s32 s5, s19  }
0xa2: {  	s8 =	simm.s32 $0x0;
	s20 =	sshll.u32 s6, $0x1;
	s6 =	sadd.s32 s21, s4  }
0xa3: {  	[timem:s8], [sflag:s22] =	dma.local [hbm:s6], s20  }
0xa4: {  	_ =	swait.ge [sflag:s22], s20  }
0xa5: {  	s5 =	ssub.s32 $0x0, s20;
	[sflag:s22] =	ssyncset.done $0x0  }
0xa6: {  	[sflag:s22] =	ssyncadd.s32 s5;
	_ =	sdelay $0x1  }
0xa7: {  	s23 =	simm.s32 $0x1B8B  }
0xa8: {  	_ =	swait.ge [sflag:s23], $0x1  }
0xa9: {  	[sflag:s23] =	ssyncset.done $0x0  }
0xaa: {  	s25 =	simm.s32 $0x1B8E;
	s24 =	sld [smem:$0x3FFE];
	[sflag:s23] =	ssyncadd.s32 $0xFFFFFFFF  }
0xab: {  	s26 =	simm.s32 $execute0_lowered;
	[smem:$0x3FD2] =	sst s25  }
0xac: {  	s6 =	sshll.u32 s26, $0x1;
	_ =	strace $0x80000046;
	[dreg:$0x1] =	wrdreg $0xFFFFFFFF  }
0xad: {  	s28 =	simm.s32 $_size_execute0_lowered;
	s4 =	sadd.s32 s4, s6;
	[dreg:$0x0] =	wrdreg $0x0  }
0xae: {  	s6 =	sshll.u32 s28, $0x1;
	[dreg:$0x2] =	wrdreg s4  }
0xaf: {  	[dreg:$0x3] =	wrdreg s6  }
0xb0: {  	[dreg:$0x4] =	wrdreg $0xC0  }
0xb1: {  	_ =	task [dreg:s8], $0x5FFFF  }
0xb2: {  	[dreg:$0x1] =	wrdreg $0xFFFFFFFF  }
0xb3: {  	[dreg:$0x0] =	wrdreg $0x60  }
0xb4: {  	[dreg:$0x2] =	wrdreg s24  }
0xb5: {  	[dreg:$0x3] =	wrdreg s16  }
0xb6: {  	[dreg:$0x4] =	wrdreg s17  }
0xb7: {  	[dreg:$0x5] =	wrdreg $0xA8800  }
0xb8: {  	[dreg:$0x6] =	wrdreg $0x9  }
0xb9: {  	_ =	task.clear_ibuf [dreg:s8], $0x7FFFF;
	_ =	strace $0x90000046  }
0xba: {  	s29 =	simm.s32 $0x9;
	_ =	strace $0x8000004D  }
0xbb: {  	_ =	swait.ge [sflag:s29], $0x1  }
0xbc: {  	[sflag:s29] =	ssyncadd.s32 $0xFFFFFFFF  }
0xbd: {  	_ =	strace $0x9000004D  }
0xbe: {  	_ =	sfence  }
0xbf: {  	s30 =	sld [smem:$0x0];
	_ =	sdelay $0x2  }
0xc0: {  	s31 =	sshll.u32 s1, $0xD;
	s1 =	sshrl.u32 s1, $0x2  }
0xc1: {  	s3 =	sand.u32 $0x4000, s31;
	s1 =	sadd.s32 s1, s30  }
0xc2: {  	s0 =	sor.u32 s3, s0;
	s1 =	sshll.u32 s1, $0x11  }
0xc3: {  	s0 =	sor.u32 s1, s0  }
0xc4: {  	s0 =	sadd.s32 $0x8F2B, s0  }
0xc5: {  	[sflag:s0] =	ssyncadd.remote.s32 $0x1  }
0xc6: {  	_ =	sfence.sel $0xFFFF  }
0xc7: {  	[dreg:$0x0] =	wrdreg $0xFFFFFFFF;
	(pc) =	sbr.abs _section_cstart, $3  }
0xc8: {  	[dreg:$0x1] =	wrdreg $0xFFFFFFFF  }
0xc9: {  	_ =	task.clear_ibuf [dreg:s8], $0x2FFFF;
	_ =	strace $0x9FFFFFFF  }
0xca: {  	(tm) =	ssettm $0x7FFFFFFF  }
0xcb: {  	_ =	shalt  }
tec
execute0_lowered:
.L_overlay_start_1:
0x0: {  	(tag) =	ssettag $0x1  }
0x1: {  	s0 =	rddreg [dreg:$0x0]  }
0x2: {  	s4 =	rddreg [dreg:$0x3]  }
0x3: {  	s7 =	stileid.u32;
	s12 =	simm.s32 $0x0;
	s1 =	srdreg.scid  }
0x4: {  	s29 =	simm.s32 $0x4;
	s30 =	simm.s32 $0x40;
	s9 =	simm.s32 $0x2  }
0x5: {  	s10 =	simm.s32 $0x8880;
	s11 =	simm.s32 $0x3;
	s2 =	smul.u32 $0x50000, s7  }
0x6: {  	[smem:$0x7FF] =	sst s12;
	s1 =	sand.u32 $0x1, s1;
	s6 =	sadd.s32 $0x2800, s0  }
0x7: {  	s8 =	sadd.s32 $0x2A800, s0;
	s26 =	sshll.u32 s7, $0x3;
	s2 =	sshrl.u32 s2, $0x2  }
0x8: {  	s31 =	smul.u32 $0x2800, s7;
	_ =	strace $0x80000047;
	s13 =	sadd.s32 s2, s4  }
0x9: {  	s3 =	ssub.s32 $0x2, s1;
	s17 =	sadd.s32 $0x2000, s13;
	[dreg:$0x6] =	wrdreg s13  }
0xa: {  	s28 =	sshll.u32 s1, $0x2;
	s18 =	sadd.s32 $0x4000, s13;
	[dreg:$0x7] =	wrdreg s17  }
0xb: {  	p0 =	seq.s32 s1, $0x1;
	s19 =	sadd.s32 $0x6000, s13;
	[dreg:$0x8] =	wrdreg s18  }
0xc: {  	s1 =	simm.s32 $0x5C800;
	s20 =	sadd.s32 $0x8000, s13;
	[dreg:$0x9] =	wrdreg s19  }
0xd: {  	s5 =	sshrl.u32 s3, $0x1;
	s21 =	sadd.s32 $0xA000, s13;
	[dreg:$0xa] =	wrdreg s20  }
0xe: {  	s1 =	simm.s32 @!p0 $0x34800;
	s22 =	sadd.s32 $0xC000, s13;
	[dreg:$0xb] =	wrdreg s21  }
0xf: {  	s16 =	ssub.s32 s3, s5;
	s23 =	sadd.s32 $0xE000, s13;
	[dreg:$0xc] =	wrdreg s22  }
0x10: {  	s0 =	sadd.s32 s1, s0;
	s24 =	sadd.s32 $0x10000, s13;
	[dreg:$0xd] =	wrdreg s23  }
0x11: {  	s1 =	simm.s32 $0x1;
	s25 =	sadd.s32 $0x12000, s13;
	[dreg:$0xe] =	wrdreg s24  }
0x12: {  	s2 =	smax.u32 s16, $0x1;
	s0 =	sadd.s32 s0, s31;
	[dreg:$0xf] =	wrdreg s25  }
0x13: {  	s18 =	sor.u32 s28, s26;
	s19 =	smul.u32 $0x5000, s7;
	[dreg:$0x10] =	wrdreg s2  }
0x14: {  	[dreg:$0x11] =	wrdreg s0;
	s22 =	simm.s32 $0x6880;
	s23 =	simm.s32 $0x5  }
0x15: {  	v0 =	vimm.f32 $0.0e+00;
	s24 =	simm.s32 $0x80;
	s25 =	simm.s32 $0x400;
	s0 =	simm.s32 $0x4880  }
.LBB2_1:
0x16: {  	[dreg:$0x5] =	wrdreg s12  }
0x17: {  	s2 =	simm.s32 $0x0;
	s3 =	simm.s32 $0x200;
	_ =	strace $0x80000048  }
.LBB2_2:
0x18: {  	p0 =	sne.s32 s3, $0x7E00;
	[tilespmem:s2+$0x68F0] =	vst v0  }
0x19: {  	[tilespmem:s2+$0x6880] =	vst v0  }
0x1a: {  	[tilespmem:s2+$0x6890] =	vst v0  }
.Ltmp0:
0x1b: {  	[tilespmem:s2+$0x68A0] =	vst v0;
	(pc) =	sbr.rel @p0 .LBB2_2-.Ltmp0, $4  }
0x1c: {  	[tilespmem:s2+$0x68B0] =	vst v0  }
0x1d: {  	[tilespmem:s2+$0x68C0] =	vst v0  }
0x1e: {  	[tilespmem:s2+$0x68D0] =	vst v0  }
0x1f: {  	[tilespmem:s2+$0x68E0] =	vst v0;
	s2 =	sshra.s32 s3, $0x2;
	s3 =	sadd.s32 $0x200, s3  }
0x20: {  	[tilespmem:s2+$0x68F0] =	vst v0  }
0x21: {  	[tilespmem:s2+$0x6880] =	vst v0  }
0x22: {  	[tilespmem:s2+$0x6890] =	vst v0  }
0x23: {  	[tilespmem:s2+$0x68A0] =	vst v0  }
0x24: {  	[tilespmem:s2+$0x68B0] =	vst v0  }
0x25: {  	[tilespmem:s2+$0x68C0] =	vst v0  }
0x26: {  	[tilespmem:s2+$0x68D0] =	vst v0  }
0x27: {  	[tilespmem:s2+$0x68E0] =	vst v0  }
0x28: {  	[spmem:s13] =	stream.linear.scatter [tilespmem:s22], [sflag:$0x5], $0x2000, $0x200038;
	[tilespmem:$0x1E880] =	vst v63  }
0x29: {  	_ =	swait.ge [sflag:s23], $0x2000  }
0x2a: {  	[sflag:s23] =	ssyncset.done $0x0  }
0x2b: {  	s14 =	rddreg [dreg:$0x7];
	[sflag:s23] =	ssyncadd.s32 $0xFFFFE000  }
0x2c: {  	[spmem:s14] =	stream.linear.scatter [tilespmem:s22], [sflag:$0x5], $0x2000, $0x200038;
	[tilespmem:$0x1E880] =	vst v63  }
0x2d: {  	_ =	swait.ge [sflag:s23], $0x2000  }
0x2e: {  	[sflag:s23] =	ssyncset.done $0x0  }
0x2f: {  	s15 =	rddreg [dreg:$0x8];
	[sflag:s23] =	ssyncadd.s32 $0xFFFFE000  }
0x30: {  	[spmem:s15] =	stream.linear.scatter [tilespmem:s22], [sflag:$0x5], $0x2000, $0x200038;
	[tilespmem:$0x1E880] =	vst v63  }
0x31: {  	_ =	swait.ge [sflag:s23], $0x2000  }
0x32: {  	[sflag:s23] =	ssyncset.done $0x0  }
0x33: {  	s16 =	rddreg [dreg:$0x9];
	[sflag:s23] =	ssyncadd.s32 $0xFFFFE000  }
0x34: {  	[spmem:s16] =	stream.linear.scatter [tilespmem:s22], [sflag:$0x5], $0x2000, $0x200038;
	[tilespmem:$0x1E880] =	vst v63  }
0x35: {  	_ =	swait.ge [sflag:s23], $0x2000  }
0x36: {  	[sflag:s23] =	ssyncset.done $0x0  }
0x37: {  	s17 =	rddreg [dreg:$0xa];
	[sflag:s23] =	ssyncadd.s32 $0xFFFFE000  }
0x38: {  	[spmem:s17] =	stream.linear.scatter [tilespmem:s22], [sflag:$0x5], $0x2000, $0x200038;
	[tilespmem:$0x1E880] =	vst v63  }
0x39: {  	_ =	swait.ge [sflag:s23], $0x2000  }
0x3a: {  	[sflag:s23] =	ssyncset.done $0x0  }
0x3b: {  	s20 =	rddreg [dreg:$0xb];
	[sflag:s23] =	ssyncadd.s32 $0xFFFFE000  }
0x3c: {  	[spmem:s20] =	stream.linear.scatter [tilespmem:s22], [sflag:$0x5], $0x2000, $0x200038;
	[tilespmem:$0x1E880] =	vst v63  }
0x3d: {  	_ =	swait.ge [sflag:s23], $0x2000  }
0x3e: {  	[sflag:s23] =	ssyncset.done $0x0  }
0x3f: {  	s21 =	rddreg [dreg:$0xc];
	[sflag:s23] =	ssyncadd.s32 $0xFFFFE000  }
0x40: {  	[spmem:s21] =	stream.linear.scatter [tilespmem:s22], [sflag:$0x5], $0x2000, $0x200038;
	[tilespmem:$0x1E880] =	vst v63  }
0x41: {  	_ =	swait.ge [sflag:s23], $0x2000  }
0x42: {  	[sflag:s23] =	ssyncset.done $0x0  }
0x43: {  	s26 =	rddreg [dreg:$0xd];
	[sflag:s23] =	ssyncadd.s32 $0xFFFFE000  }
0x44: {  	[spmem:s26] =	stream.linear.scatter [tilespmem:s22], [sflag:$0x5], $0x2000, $0x200038;
	[tilespmem:$0x1E880] =	vst v63  }
0x45: {  	_ =	swait.ge [sflag:s23], $0x2000  }
0x46: {  	[sflag:s23] =	ssyncset.done $0x0  }
0x47: {  	s28 =	rddreg [dreg:$0xe];
	[sflag:s23] =	ssyncadd.s32 $0xFFFFE000  }
0x48: {  	[spmem:s28] =	stream.linear.scatter [tilespmem:s22], [sflag:$0x5], $0x2000, $0x200038;
	[tilespmem:$0x1E880] =	vst v63  }
0x49: {  	_ =	swait.ge [sflag:s23], $0x2000  }
0x4a: {  	[sflag:s23] =	ssyncset.done $0x0  }
0x4b: {  	s31 =	rddreg [dreg:$0xf];
	[sflag:s23] =	ssyncadd.s32 $0xFFFFE000  }
0x4c: {  	[spmem:s31] =	stream.linear.scatter [tilespmem:s22], [sflag:$0x5], $0x2000, $0x200038;
	[tilespmem:$0x1E880] =	vst v63  }
0x4d: {  	_ =	swait.ge [sflag:s23], $0x2000  }
0x4e: {  	[sflag:s23] =	ssyncset.done $0x0  }
0x4f: {  	[sflag:s23] =	ssyncadd.s32 $0xFFFFE000  }
0x50: {  	_ =	strace $0x90000048  }
0x51: {  	[bflag:$0x0] =	sbarrier.arrive $0xFFFF  }
0x52: {  	s12 =	simm.s32 $0x0;
	s13 =	simm.s32 $0x0;
	_ =	strace $0x80000049  }
.LBB2_4:
0x53: {  	s2 =	sadd.s32 s18, s13  }
0x54: {  	s3 =	sshll.u32 s2, $0x7  }
0x55: {  	s3 =	sand.u32 $0x380, s3  }
0x56: {  	_ =	strace $0x8000004A;
	s3 =	sor.u32 s19, s3  }
0x57: {  	s5 =	rddreg [dreg:$0x1];
	s3 =	sshrl.u32 s3, $0x3  }
0x58: {  	s21 =	simm.s32 $0xA00;
	s5 =	sadd.s32 s5, s3  }
0x59: {  	[tilespmem:s12], [sflag:$0x4] =	stream.strided.gather [hbm4b:s5+s24], $0xA00, s25, s24, $0x200038;
	[tilespmem:$0x1E880] =	vst v63  }
0x5a: {  	s2 =	smul.u32 $0x280, s2;
	s26 =	rddreg [dreg:$0x2];
	s3 =	sadd.s32 s8, s3  }
0x5b: {  	[tilespmem:s21], [sflag:$0x4] =	stream.strided.gather [hbm4b:s3+s24], $0xA00, s25, s24, $0x200038;
	[tilespmem:$0x1E880] =	vst v63  }
0x5c: {  	s28 =	simm.s32 $0x1480;
	s2 =	sadd.s32 s26, s2  }
0x5d: {  	[tilespmem:s28], [sflag:$0x4] =	stream.linear.gather [hbm4b:s2+s12], $0x1400, $0x200038;
	[tilespmem:$0x1E880] =	vst v63  }
0x5e: {  	_ =	swait.ge [sflag:s29], $0xA00  }
0x5f: {  	[sflag:s29] =	ssyncset.done $0x0  }
0x60: {  	[sflag:s29] =	ssyncadd.s32 $0xFFFFF600  }
0x61: {  	_ =	swait.ge [sflag:s29], $0xA00  }
0x62: {  	[sflag:s29] =	ssyncset.done $0x0  }
0x63: {  	[sflag:s29] =	ssyncadd.s32 $0xFFFFF600  }
0x64: {  	_ =	swait.ge [sflag:s29], $0x1400  }
0x65: {  	[sflag:s29] =	ssyncset.done $0x0  }
0x66: {  	[sflag:s29] =	ssyncadd.s32 $0xFFFFEC00  }
0x67: {  	s31 =	simm.s32 $0x2880;
	s14 =	simm.s32 $0xA02;
	_ =	strace $0x9000004A  }
0x68: {  	[tilespmem:s31], [sflag:$0x1] =	stream.indirect.gather [hbm4b:s6+s30], $0x80, s12, s30, $0x2000b8;
	[tilespmem:$0x1E880] =	vst v63  }
0x69: {  	s15 =	simm.s32 $0xA43;
	s17 =	simm.s32 $0x0;
	_ =	strace $0x8000004B  }
.LBB2_5:
0x6a: {  	s16 =	sshllo.u32 s17, $0x1  }
0x6b: {  	s2 =	sshll.u32 s16, $0x6  }
0x6c: {  	[tilespmem:s0], [sflag:$0x2] =	stream.indirect.gather [hbm4b:s6+s30], $0x80, s2, s30, $0x2000b8;
	[tilespmem:$0x1E880] =	vst v63  }
0x6d: {  	_ =	swait.ge [sflag:s1], $0x2000  }
0x6e: {  	p0 =	seq.s32 s17, $0x0;
	[sflag:s1] =	ssyncset.done $0x0  }
0x6f: {  	s2 =	simm.s32 @!p0 $0x3;
	[sflag:s1] =	ssyncadd.s32 $0xFFFFE000  }
0x70: {  	_ =	swait.ge @!p0 [sflag:s2], $0x2000  }
0x71: {  	[sflag:s2] =	ssyncset.done @!p0 $0x0  }
0x72: {  	[sflag:s2] =	ssyncadd.s32 @!p0 $0xFFFFE000  }
0x73: {  	_ =	swait.ge @!p0 [sflag:s2], $0x2000  }
0x74: {  	[sflag:s2] =	ssyncset.done @!p0 $0x0  }
0x75: {  	[sflag:s2] =	ssyncadd.s32 @!p0 $0xFFFFE000  }
0x76: {  	s3 =	simm.s32 $0x2980;
	v5 =	vld.msk [tilespmem:s14+$0x1 ss:$0x0], $0xffff  }
0x77: {  	v1 =	vld [tilespmem:s3+$0x80];
	_ =	sdelay $0x1  }
0x78: {  	v11 =	vld.msk [tilespmem:s14+$0xFFFFFFFE ss:$0x0], $0xffff  }
0x79: {  	v10 =	vld.msk [tilespmem:s14+$0xFFFFFFFF ss:$0x0], $0xffff  }
0x7a: {  	v8 =	vld.msk [tilespmem:s14+$0x0 ss:$0x0], $0xffff  }
0x7b: {  	v3 =	vld [tilespmem:s3+$0x0];
	v1 =	vmul.f32 v1, v5  }
0x7c: {  	s20 =	simm.s32 $0x6980;
	v4 =	vld [tilespmem:s3+$0xFFFFFF00]  }
0x7d: {  	v2 =	vld [tilespmem:s3+$0xFFFFFF80];
	[tilespmem:s20+$0x80] =	vst v1  }
0x7e: {  	v1 =	vld [tilespmem:s3+$0x90];
	_ =	sdelay $0x1  }
0x7f: {  	v3 =	vmul.f32 v3, v8  }
0x80: {  	v4 =	vmul.f32 v4, v11  }
0x81: {  	v2 =	vmul.f32 v2, v10;
	[tilespmem:s20+$0x0] =	vst v3  }
0x82: {  	[tilespmem:s20+$0xFFFFFF00] =	vst v4;
	v3 =	vld [tilespmem:s3+$0x10];
	v1 =	vmul.f32 v1, v5  }
0x83: {  	[tilespmem:s20+$0xFFFFFF80] =	vst v2;
	v4 =	vld [tilespmem:s3+$0xFFFFFF10]  }
0x84: {  	v2 =	vld [tilespmem:s3+$0xFFFFFF90];
	[tilespmem:s20+$0x90] =	vst v1  }
0x85: {  	v1 =	vld [tilespmem:s3+$0xA0];
	_ =	sdelay $0x1  }
0x86: {  	v3 =	vmul.f32 v3, v8  }
0x87: {  	s26 =	sadd.s32 $0x4, s14;
	v4 =	vmul.f32 v4, v11  }
0x88: {  	v9 =	vld.msk [tilespmem:s26+$0x1 ss:$0x0], $0xffff;
	v2 =	vmul.f32 v2, v10;
	[tilespmem:s20+$0x10] =	vst v3  }
0x89: {  	[tilespmem:s20+$0xFFFFFF10] =	vst v4;
	v3 =	vld [tilespmem:s3+$0x20];
	v1 =	vmul.f32 v1, v5  }
0x8a: {  	[tilespmem:s20+$0xFFFFFF90] =	vst v2;
	v4 =	vld [tilespmem:s3+$0xFFFFFF20]  }
0x8b: {  	v2 =	vld [tilespmem:s3+$0xFFFFFFA0];
	[tilespmem:s20+$0xA0] =	vst v1  }
0x8c: {  	s7 =	simm.s32 $0x2B80;
	v1 =	vld [tilespmem:s3+$0xB0]  }
0x8d: {  	v12 =	vld [tilespmem:s7+$0x80]  }
0x8e: {  	v14 =	vld [tilespmem:s7+$0xFFFFFF80];
	v3 =	vmul.f32 v3, v8  }
0x8f: {  	v16 =	vld [tilespmem:s7+$0xFFFFFF00];
	v4 =	vmul.f32 v4, v11  }
0x90: {  	v2 =	vmul.f32 v2, v10;
	[tilespmem:s20+$0x20] =	vst v3;
	v3 =	vld.msk [tilespmem:s26+$0xFFFFFFFE ss:$0x0], $0xffff  }
0x91: {  	v15 =	vld [tilespmem:s7+$0x0];
	[tilespmem:s20+$0xFFFFFF20] =	vst v4;
	v1 =	vmul.f32 v1, v5  }
0x92: {  	[tilespmem:s20+$0xFFFFFFA0] =	vst v2;
	v7 =	vld [tilespmem:s3+$0xFFFFFF30]  }
0x93: {  	v6 =	vld [tilespmem:s3+$0xFFFFFFB0];
	[tilespmem:s20+$0xB0] =	vst v1  }
0x94: {  	v13 =	vld [tilespmem:s3+$0xC0]  }
0x95: {  	v4 =	vld [tilespmem:s3+$0x30];
	v16 =	vmul.f32 v16, v3  }
0x96: {  	s21 =	simm.s32 $0x6B80;
	v12 =	vmul.f32 v12, v9;
	v2 =	vld.msk [tilespmem:s26+$0xFFFFFFFF ss:$0x0], $0xffff  }
0x97: {  	v7 =	vmul.f32 v7, v11;
	[tilespmem:s21+$0xFFFFFF00] =	vst v16;
	v1 =	vld.msk [tilespmem:s26+$0x0 ss:$0x0], $0xffff  }
0x98: {  	[tilespmem:s21+$0x80] =	vst v12;
	v6 =	vmul.f32 v6, v10;
	v16 =	vld [tilespmem:s7+$0xFFFFFF10]  }
0x99: {  	[tilespmem:s20+$0xFFFFFF30] =	vst v7;
	v7 =	vld [tilespmem:s7+$0x90];
	v12 =	vmul.f32 v13, v5  }
0x9a: {  	v4 =	vmul.f32 v4, v8;
	[tilespmem:s20+$0xFFFFFFB0] =	vst v6;
	v6 =	vld [tilespmem:s3+$0xFFFFFF40]  }
0x9b: {  	v13 =	vld [tilespmem:s3+$0xFFFFFFC0];
	[tilespmem:s20+$0xC0] =	vst v12;
	v12 =	vmul.f32 v14, v2  }
0x9c: {  	[tilespmem:s20+$0x30] =	vst v4;
	v14 =	vmul.f32 v15, v1;
	v4 =	vld [tilespmem:s3+$0xD0]  }
0x9d: {  	v16 =	vmul.f32 v16, v3;
	v15 =	vld [tilespmem:s3+$0x40];
	[tilespmem:s21+$0xFFFFFF80] =	vst v12  }
0x9e: {  	v7 =	vmul.f32 v7, v9;
	[tilespmem:s21+$0x0] =	vst v14;
	v12 =	vld [tilespmem:s7+$0xFFFFFF90]  }
0x9f: {  	v6 =	vmul.f32 v6, v11;
	[tilespmem:s21+$0xFFFFFF10] =	vst v16;
	v14 =	vld [tilespmem:s7+$0x10]  }
0xa0: {  	[tilespmem:s21+$0x90] =	vst v7;
	v16 =	vld [tilespmem:s7+$0xFFFFFF20];
	v7 =	vmul.f32 v13, v10  }
0xa1: {  	[tilespmem:s20+$0xFFFFFF40] =	vst v6;
	v13 =	vld [tilespmem:s7+$0xA0];
	v4 =	vmul.f32 v4, v5  }
0xa2: {  	v6 =	vmul.f32 v15, v8;
	v15 =	vld [tilespmem:s3+$0xFFFFFF50];
	[tilespmem:s20+$0xFFFFFFC0] =	vst v7  }
0xa3: {  	v7 =	vld [tilespmem:s3+$0xFFFFFFD0];
	[tilespmem:s20+$0xD0] =	vst v4;
	v4 =	vmul.f32 v12, v2  }
0xa4: {  	[tilespmem:s20+$0x40] =	vst v6;
	v6 =	vmul.f32 v14, v1;
	v12 =	vld [tilespmem:s3+$0xE0]  }
0xa5: {  	s2 =	simm.s32 $0x2D80;
	v14 =	vld [tilespmem:s3+$0x50];
	[tilespmem:s21+$0xFFFFFF90] =	vst v4  }
0xa6: {  	v19 =	vld [tilespmem:s2+$0x80];
	[tilespmem:s21+$0x10] =	vst v6;
	v6 =	vmul.f32 v13, v9  }
0xa7: {  	v15 =	vmul.f32 v15, v11;
	v4 =	vld [tilespmem:s7+$0xFFFFFFA0]  }
0xa8: {  	v16 =	vmul.f32 v16, v3;
	v13 =	vld [tilespmem:s7+$0x20];
	[tilespmem:s21+$0xA0] =	vst v6  }
0xa9: {  	v6 =	vmul.f32 v7, v10;
	[tilespmem:s20+$0xFFFFFF50] =	vst v15;
	v7 =	vmul.f32 v12, v5;
	v12 =	vld [tilespmem:s7+$0xB0]  }
0xaa: {  	[tilespmem:s21+$0xFFFFFF20] =	vst v16;
	v14 =	vmul.f32 v14, v8;
	v15 =	vld [tilespmem:s3+$0xFFFFFF60]  }
0xab: {  	v53 =	vld [tilespmem:s2+$0xFFFFFF80];
	[tilespmem:s20+$0xFFFFFFD0] =	vst v6  }
0xac: {  	v6 =	vld [tilespmem:s3+$0xFFFFFFE0];
	[tilespmem:s20+$0x50] =	vst v14;
	v4 =	vmul.f32 v4, v2  }
0xad: {  	[tilespmem:s20+$0xE0] =	vst v7;
	v13 =	vmul.f32 v13, v1;
	v14 =	vld [tilespmem:s3+$0x60]  }
0xae: {  	v7 =	vld [tilespmem:s3+$0xF0];
	[tilespmem:s21+$0xFFFFFFA0] =	vst v4;
	v4 =	vmul.f32 v12, v9  }
0xaf: {  	[tilespmem:s21+$0x20] =	vst v13;
	v13 =	vmul.f32 v15, v11;
	v15 =	vld [tilespmem:s7+$0xFFFFFF30]  }
0xb0: {  	v17 =	vld [tilespmem:s7+$0xFFFFFFB0];
	[tilespmem:s21+$0xB0] =	vst v4  }
0xb1: {  	v52 =	vld [tilespmem:s7+$0xC0]  }
0xb2: {  	v12 =	vld [tilespmem:s7+$0x30];
	[tilespmem:s20+$0xFFFFFF60] =	vst v13;
	v4 =	vmul.f32 v6, v10  }
0xb3: {  	s26 =	sadd.s32 $0x4, s26;
	v13 =	vld [tilespmem:s3+$0xFFFFFF70];
	v14 =	vmul.f32 v14, v8  }
0xb4: {  	v5 =	vmul.f32 v7, v5;
	[tilespmem:s20+$0xFFFFFFE0] =	vst v4;
	v4 =	vld.msk [tilespmem:s26+$0x1 ss:$0x0], $0xffff  }
0xb5: {  	v6 =	vld.msk [tilespmem:s26+$0xFFFFFFFE ss:$0x0], $0xffff;
	[tilespmem:s20+$0x60] =	vst v14;
	v15 =	vmul.f32 v15, v3  }
0xb6: {  	v18 =	vld [tilespmem:s3+$0xFFFFFFF0];
	[tilespmem:s20+$0xF0] =	vst v5;
	v16 =	vmul.f32 v52, v9  }
0xb7: {  	v7 =	vld.msk [tilespmem:s26+$0xFFFFFFFF ss:$0x0], $0xffff;
	v17 =	vmul.f32 v17, v2;
	[tilespmem:s21+$0xFFFFFF30] =	vst v15  }
0xb8: {  	v5 =	vld.msk [tilespmem:s26+$0x0 ss:$0x0], $0xffff;
	v12 =	vmul.f32 v12, v1;
	[tilespmem:s21+$0xC0] =	vst v16  }
0xb9: {  	[tilespmem:s21+$0xFFFFFFB0] =	vst v17;
	v54 =	vmul.f32 v19, v4;
	v14 =	vld [tilespmem:s7+$0xD0]  }
0xba: {  	s5 =	simm.s32 $0x6D80;
	[tilespmem:s21+$0x30] =	vst v12;
	v12 =	vld [tilespmem:s2+$0x0];
	v11 =	vmul.f32 v13, v11  }
0xbb: {  	v13 =	vld [tilespmem:s2+$0xFFFFFF00];
	v10 =	vmul.f32 v18, v10;
	[tilespmem:s5+$0x80] =	vst v54  }
0xbc: {  	[tilespmem:s20+$0xFFFFFF70] =	vst v11;
	v15 =	vld [tilespmem:s2+$0x90]  }
0xbd: {  	v11 =	vld [tilespmem:s7+$0xFFFFFF40];
	[tilespmem:s20+$0xFFFFFFF0] =	vst v10;
	v10 =	vmul.f32 v53, v7  }
0xbe: {  	v55 =	vld [tilespmem:s7+$0xFFFFFFC0];
	v14 =	vmul.f32 v14, v9  }
0xbf: {  	v56 =	vld [tilespmem:s7+$0x40];
	v12 =	vmul.f32 v12, v5;
	[tilespmem:s5+$0xFFFFFF80] =	vst v10  }
0xc0: {  	v13 =	vmul.f32 v13, v6;
	[tilespmem:s21+$0xD0] =	vst v14;
	v14 =	vld [tilespmem:s2+$0xFFFFFF90]  }
0xc1: {  	[tilespmem:s5+$0x0] =	vst v12;
	v12 =	vmul.f32 v15, v4;
	v10 =	vld [tilespmem:s7+$0xE0]  }
0xc2: {  	[tilespmem:s5+$0xFFFFFF00] =	vst v13;
	v11 =	vmul.f32 v11, v3;
	v13 =	vld [tilespmem:s2+$0x10]  }
0xc3: {  	v15 =	vld [tilespmem:s2+$0xFFFFFF10];
	[tilespmem:s5+$0x90] =	vst v12;
	v12 =	vmul.f32 v55, v2  }
0xc4: {  	[tilespmem:s21+$0xFFFFFF40] =	vst v11;
	v11 =	vmul.f32 v56, v1;
	v57 =	vld [tilespmem:s2+$0xA0]  }
0xc5: {  	v58 =	vld [tilespmem:s7+$0xFFFFFF50];
	[tilespmem:s21+$0xFFFFFFC0] =	vst v12;
	v12 =	vmul.f32 v14, v7  }
0xc6: {  	[tilespmem:s21+$0x40] =	vst v11;
	v14 =	vld [tilespmem:s7+$0xFFFFFFD0];
	v10 =	vmul.f32 v10, v9  }
0xc7: {  	v11 =	vmul.f32 v13, v5;
	v13 =	vld [tilespmem:s7+$0x50];
	[tilespmem:s5+$0xFFFFFF90] =	vst v12  }
0xc8: {  	[tilespmem:s21+$0xE0] =	vst v10;
	v10 =	vmul.f32 v15, v6;
	v15 =	vld [tilespmem:s2+$0xFFFFFFA0]  }
0xc9: {  	[tilespmem:s5+$0x10] =	vst v11;
	v11 =	vmul.f32 v57, v4;
	v12 =	vld [tilespmem:s7+$0xF0]  }
0xca: {  	v59 =	vmul.f32 v58, v3;
	[tilespmem:s5+$0xFFFFFF10] =	vst v10;
	v10 =	vld [tilespmem:s2+$0x20]  }
0xcb: {  	[tilespmem:s5+$0xA0] =	vst v11;
	v11 =	vmul.f32 v14, v2;
	v60 =	vld [tilespmem:s2+$0xFFFFFF20]  }
0xcc: {  	[tilespmem:s21+$0xFFFFFF50] =	vst v59;
	v13 =	vmul.f32 v13, v1;
	v14 =	vld [tilespmem:s2+$0xB0]  }
0xcd: {  	v16 =	vld [tilespmem:s7+$0xFFFFFF60];
	[tilespmem:s21+$0xFFFFFFD0] =	vst v11;
	v11 =	vmul.f32 v15, v7  }
0xce: {  	[tilespmem:s21+$0x50] =	vst v13;
	v15 =	vld [tilespmem:s7+$0xFFFFFFE0];
	v9 =	vmul.f32 v12, v9  }
0xcf: {  	v61 =	vld [tilespmem:s7+$0x60];
	v10 =	vmul.f32 v10, v5;
	[tilespmem:s5+$0xFFFFFFA0] =	vst v11  }
0xd0: {  	v62 =	vld [tilespmem:s3+$0x70];
	[tilespmem:s21+$0xF0] =	vst v9;
	v9 =	vmul.f32 v60, v6  }
0xd1: {  	v63 =	vld [tilespmem:s2+$0xFFFFFFB0];
	[tilespmem:s5+$0x20] =	vst v10;
	v10 =	vmul.f32 v14, v4  }
0xd2: {  	[tilespmem:s5+$0xFFFFFF20] =	vst v9;
	v13 =	vld [tilespmem:s2+$0x30];
	v9 =	vmul.f32 v16, v3  }
0xd3: {  	v12 =	vld [tilespmem:s2+$0xFFFFFF30];
	[tilespmem:s5+$0xB0] =	vst v10;
	v10 =	vmul.f32 v15, v2  }
0xd4: {  	v15 =	vmul.f32 v61, v1;
	v11 =	vld [tilespmem:s2+$0xC0];
	[tilespmem:s21+$0xFFFFFF60] =	vst v9  }
0xd5: {  	s28 =	simm.s32 $0x8;
	v9 =	vld [tilespmem:s7+$0xFFFFFF70];
	[tilespmem:s21+$0xFFFFFFE0] =	vst v10;
	v10 =	vmul.f32 v62, v8  }
0xd6: {  	s31 =	sadd.s32 $0x4, s26;
	s3 =	sshll.u32 s17, $0x9;
	s26 =	simm.s32 $0x2D80;
	v14 =	vmul.f32 v63, v7;
	[tilespmem:s21+$0x60] =	vst v15;
	v8 =	vld [tilespmem:s7+$0xFFFFFFF0]  }
.LBB2_6:
0xd7: {  	v15 =	vld.msk [tilespmem:s31+$0x1 ss:$0x0], $0xffff;
	s28 =	sadd.s32 $0x4, s28;
	v13 =	vmul.f32 v13, v5;
	s2 =	sadd.s32 $0x200, s2;
	[tilespmem:s20+$0x70] =	vst v10;
	s20 =	smov.u32 s21  }
0xd8: {  	s21 =	smov.u32 s5;
	v10 =	vld [tilespmem:s2+$0x80];
	p0 =	slt.u32 s28, $0x3C;
	v12 =	vmul.f32 v12, v6;
	[tilespmem:s5+$0xFFFFFFB0] =	vst v14  }
0xd9: {  	v14 =	vld.msk [tilespmem:s31+$0xFFFFFFFE ss:$0x0], $0xffff;
	[tilespmem:s5+$0x30] =	vst v13;
	v11 =	vmul.f32 v11, v4  }
0xda: {  	v13 =	vld.msk [tilespmem:s31+$0xFFFFFFFF ss:$0x0], $0xffff;
	[tilespmem:s5+$0xFFFFFF30] =	vst v12;
	v9 =	vmul.f32 v9, v3;
	v3 =	vmov v6  }
0xdb: {  	v16 =	vld.msk [tilespmem:s31+$0x0 ss:$0x0], $0xffff;
	[tilespmem:s5+$0xC0] =	vst v11;
	v6 =	vmul.f32 v8, v2;
	v2 =	vmov v7  }
0xdc: {  	v8 =	vld [tilespmem:s26+$0xD0];
	[tilespmem:s20+$0xFFFFFF70] =	vst v9  }
0xdd: {  	v9 =	vld [tilespmem:s2+$0xFFFFFF80];
	v17 =	vmul.f32 v10, v15;
	[tilespmem:s20+$0xFFFFFFF0] =	vst v6  }
0xde: {  	s5 =	sadd.s32 $0x200, s5;
	v10 =	vld [tilespmem:s2+$0x0]  }
0xdf: {  	v11 =	vld [tilespmem:s2+$0xFFFFFF00];
	[tilespmem:s5+$0x80] =	vst v17;
	v6 =	vmov v14  }
0xe0: {  	v7 =	vmov v13;
	v12 =	vld [tilespmem:s2+$0x90]  }
0xe1: {  	v13 =	vld [tilespmem:s26+$0xFFFFFF40];
	v8 =	vmul.f32 v8, v4  }
0xe2: {  	v9 =	vmul.f32 v9, v7;
	v14 =	vld [tilespmem:s26+$0xFFFFFFC0]  }
0xe3: {  	v10 =	vmul.f32 v10, v16;
	v17 =	vld [tilespmem:s26+$0x40];
	[tilespmem:s21+$0xD0] =	vst v8  }
0xe4: {  	v8 =	vmul.f32 v11, v6;
	[tilespmem:s5+$0xFFFFFF80] =	vst v9;
	v9 =	vld [tilespmem:s26+$0xE0]  }
0xe5: {  	v11 =	vld [tilespmem:s2+$0xFFFFFF90];
	[tilespmem:s5+$0x0] =	vst v10;
	v10 =	vmul.f32 v12, v15  }
0xe6: {  	[tilespmem:s5+$0xFFFFFF00] =	vst v8;
	v8 =	vld [tilespmem:s2+$0x10];
	v12 =	vmul.f32 v13, v3  }
0xe7: {  	v13 =	vld [tilespmem:s2+$0xFFFFFF10];
	[tilespmem:s5+$0x90] =	vst v10;
	v10 =	vmul.f32 v14, v2  }
0xe8: {  	v14 =	vld [tilespmem:s2+$0xA0];
	[tilespmem:s21+$0xFFFFFF40] =	vst v12;
	v12 =	vmul.f32 v17, v5  }
0xe9: {  	v17 =	vld [tilespmem:s26+$0xFFFFFF50];
	[tilespmem:s21+$0xFFFFFFC0] =	vst v10;
	v9 =	vmul.f32 v9, v4  }
0xea: {  	v10 =	vmul.f32 v11, v7;
	v11 =	vld [tilespmem:s26+$0xFFFFFFD0];
	[tilespmem:s21+$0x40] =	vst v12  }
0xeb: {  	v8 =	vmul.f32 v8, v16;
	v12 =	vld [tilespmem:s26+$0x50];
	[tilespmem:s21+$0xE0] =	vst v9  }
0xec: {  	v9 =	vmul.f32 v13, v6;
	[tilespmem:s5+$0xFFFFFF90] =	vst v10;
	v10 =	vld [tilespmem:s26+$0xF0]  }
0xed: {  	v13 =	vld [tilespmem:s2+$0xFFFFFFA0];
	[tilespmem:s5+$0x10] =	vst v8;
	v8 =	vmul.f32 v14, v15  }
0xee: {  	[tilespmem:s5+$0xFFFFFF10] =	vst v9;
	v9 =	vld [tilespmem:s2+$0x20];
	v14 =	vmul.f32 v17, v3  }
0xef: {  	v17 =	vld [tilespmem:s2+$0xFFFFFF20];
	[tilespmem:s5+$0xA0] =	vst v8;
	v8 =	vmul.f32 v11, v2  }
0xf0: {  	v11 =	vld [tilespmem:s2+$0xB0];
	[tilespmem:s21+$0xFFFFFF50] =	vst v14;
	v12 =	vmul.f32 v12, v5  }
0xf1: {  	v14 =	vld [tilespmem:s26+$0xFFFFFF60];
	[tilespmem:s21+$0xFFFFFFD0] =	vst v8;
	v8 =	vmul.f32 v10, v4;
	v4 =	vmov v15  }
0xf2: {  	v10 =	vmul.f32 v13, v7;
	v15 =	vld [tilespmem:s26+$0xFFFFFFE0];
	[tilespmem:s21+$0x50] =	vst v12  }
0xf3: {  	v9 =	vmul.f32 v9, v16;
	v18 =	vld [tilespmem:s26+$0x60];
	[tilespmem:s21+$0xF0] =	vst v8  }
0xf4: {  	v8 =	vmul.f32 v17, v6;
	[tilespmem:s5+$0xFFFFFFA0] =	vst v10;
	v10 =	vld [tilespmem:s7+$0x70];
	s7 =	smov.u32 s26;
	s26 =	smov.u32 s2  }
0xf5: {  	v17 =	vld [tilespmem:s2+$0xFFFFFFB0];
	[tilespmem:s5+$0x20] =	vst v9;
	v9 =	vmul.f32 v11, v4  }
.Ltmp1:
0xf6: {  	[tilespmem:s5+$0xFFFFFF20] =	vst v8;
	v13 =	vld [tilespmem:s2+$0x30];
	v8 =	vmul.f32 v14, v3;
	(pc) =	sbr.rel @p0 .LBB2_6-.Ltmp1, $4  }
0xf7: {  	v12 =	vld [tilespmem:s2+$0xFFFFFF30];
	[tilespmem:s5+$0xB0] =	vst v9;
	v14 =	vmul.f32 v15, v2  }
0xf8: {  	v11 =	vld [tilespmem:s2+$0xC0];
	[tilespmem:s21+$0xFFFFFF60] =	vst v8;
	v15 =	vmul.f32 v18, v5  }
0xf9: {  	v9 =	vld [tilespmem:s7+$0xFFFFFF70];
	[tilespmem:s21+$0xFFFFFFE0] =	vst v14;
	v10 =	vmul.f32 v10, v1;
	v1 =	vmov v5;
	v5 =	vmov v16  }
0xfa: {  	s31 =	sadd.s32 $0x4, s31;
	v14 =	vmul.f32 v17, v7;
	v8 =	vld [tilespmem:s7+$0xFFFFFFF0];
	[tilespmem:s21+$0x60] =	vst v15  }
0xfb: {  	_ = 	snop  }
0xfc: {  	v12 =	vmul.f32 v12, v6;
	_ =	sdelay $0x1  }
0xfd: {  	v13 =	vmul.f32 v13, v5;
	[tilespmem:s5+$0xFFFFFF30] =	vst v12  }
0xfe: {  	[tilespmem:s5+$0xFFFFFFB0] =	vst v14;
	v12 =	vld [tilespmem:s26+$0xFFFFFF40]  }
0xff: {  	[tilespmem:s5+$0x30] =	vst v13;
	v13 =	vld [tilespmem:s26+$0xFFFFFFC0]  }
0x100: {  	v14 =	vld [tilespmem:s26+$0x40]  }
0x101: {  	v11 =	vmul.f32 v11, v4;
	_ =	sdelay $0x1  }
0x102: {  	[tilespmem:s5+$0xC0] =	vst v11;
	v11 =	vmul.f32 v12, v6  }
0x103: {  	v13 =	vmul.f32 v13, v7;
	v12 =	vld [tilespmem:s26+$0xD0]  }
0x104: {  	[tilespmem:s5+$0xFFFFFF40] =	vst v11;
	v11 =	vmul.f32 v14, v5  }
0x105: {  	[tilespmem:s5+$0xFFFFFFC0] =	vst v13;
	v14 =	vld [tilespmem:s26+$0xFFFFFF50]  }
0x106: {  	v13 =	vld [tilespmem:s26+$0xFFFFFFD0];
	[tilespmem:s5+$0x40] =	vst v11  }
0x107: {  	v11 =	vld [tilespmem:s26+$0x50]  }
0x108: {  	v12 =	vmul.f32 v12, v4;
	_ =	sdelay $0x1  }
0x109: {  	[tilespmem:s5+$0xD0] =	vst v12;
	v12 =	vmul.f32 v14, v6  }
0x10a: {  	v13 =	vmul.f32 v13, v7  }
0x10b: {  	v14 =	vld [tilespmem:s26+$0xE0];
	[tilespmem:s5+$0xFFFFFF50] =	vst v12;
	v11 =	vmul.f32 v11, v5  }
0x10c: {  	[tilespmem:s5+$0xFFFFFFD0] =	vst v13;
	v12 =	vld [tilespmem:s26+$0xFFFFFF60]  }
0x10d: {  	v13 =	vld [tilespmem:s26+$0xFFFFFFE0];
	[tilespmem:s5+$0x50] =	vst v11  }
0x10e: {  	v11 =	vld [tilespmem:s26+$0x60];
	_ =	sdelay $0x1  }
0x10f: {  	v14 =	vmul.f32 v14, v4  }
0x110: {  	v12 =	vmul.f32 v12, v6  }
0x111: {  	v15 =	vld [tilespmem:s7+$0x70];
	v13 =	vmul.f32 v13, v7;
	[tilespmem:s5+$0xE0] =	vst v14  }
0x112: {  	v14 =	vld [tilespmem:s26+$0xF0];
	[tilespmem:s5+$0xFFFFFF60] =	vst v12;
	v11 =	vmul.f32 v11, v5  }
0x113: {  	[tilespmem:s5+$0xFFFFFFE0] =	vst v13;
	v12 =	vld [tilespmem:s26+$0xFFFFFF70]  }
0x114: {  	v3 =	vmul.f32 v9, v3;
	v9 =	vld [tilespmem:s26+$0xFFFFFFF0];
	[tilespmem:s5+$0x60] =	vst v11  }
0x115: {  	[tilespmem:s20+$0x70] =	vst v10;
	v2 =	vmul.f32 v8, v2;
	v8 =	vld [tilespmem:s26+$0x70]  }
0x116: {  	[tilespmem:s21+$0xFFFFFF70] =	vst v3;
	v1 =	vmul.f32 v15, v1  }
0x117: {  	[tilespmem:s21+$0xFFFFFFF0] =	vst v2;
	v3 =	vmul.f32 v14, v4  }
0x118: {  	[tilespmem:s21+$0x70] =	vst v1;
	v2 =	vmul.f32 v12, v6  }
0x119: {  	v1 =	vmul.f32 v9, v7;
	[tilespmem:s5+$0xF0] =	vst v3  }
0x11a: {  	s2 =	sshll.u32 s17, $0x8;
	[tilespmem:s5+$0xFFFFFF70] =	vst v2;
	v2 =	vmul.f32 v8, v5  }
0x11b: {  	s2 =	sand.u32 $0x3FFFFF00, s2;
	[tilespmem:s5+$0xFFFFFFF0] =	vst v1  }
0x11c: {  	p0 =	seq.s32 s17, $0x13;
	s2 =	sadd.s32 $0x1480, s2;
	[tilespmem:s5+$0x70] =	vst v2  }
0x11d: {  	[spmem:s4] =	stream.indirect.scatter.add.f32 [tilespmem:s22], [sflag:$0x3], $0x80, s2, s30, $0x2000b8;
	[tilespmem:$0x1E880] =	vst v63  }
0x11e: {  	s2 =	sshrl.u32 @!p0 s3, $0x2  }
0x11f: {  	s5 =	simm.s32 @!p0 $0x2880;
	s3 =	simm.s32 @!p0 $0x40;
	s2 =	sadd.s32 @!p0 $0x80, s2  }
0x120: {  	[tilespmem:s5], [sflag:$0x1] =	stream.indirect.gather @!p0 [hbm4b:s6+s3], $0x80, s2, s3, $0x2000b8;
	[tilespmem:$0x1E880] =	vst v63  }
0x121: {  	_ =	swait.ge [sflag:s9], $0x2000  }
0x122: {  	[sflag:s9] =	ssyncset.done $0x0  }
0x123: {  	[sflag:s9] =	ssyncadd.s32 $0xFFFFE000  }
0x124: {  	s26 =	simm.s32 $0x4980;
	v5 =	vld.msk [tilespmem:s15+$0x0 ss:$0x0], $0xffff  }
0x125: {  	v1 =	vld [tilespmem:s26+$0x80];
	_ =	sdelay $0x1  }
0x126: {  	v11 =	vld.msk [tilespmem:s15+$0xFFFFFFFD ss:$0x0], $0xffff  }
0x127: {  	v10 =	vld.msk [tilespmem:s15+$0xFFFFFFFE ss:$0x0], $0xffff  }
0x128: {  	v8 =	vld.msk [tilespmem:s15+$0xFFFFFFFF ss:$0x0], $0xffff  }
0x129: {  	v3 =	vld [tilespmem:s26+$0x0];
	v1 =	vmul.f32 v1, v5  }
0x12a: {  	s20 =	simm.s32 $0x8980;
	v4 =	vld [tilespmem:s26+$0xFFFFFF00]  }
0x12b: {  	v2 =	vld [tilespmem:s26+$0xFFFFFF80];
	[tilespmem:s20+$0x80] =	vst v1  }
0x12c: {  	v1 =	vld [tilespmem:s26+$0x90];
	_ =	sdelay $0x1  }
0x12d: {  	v3 =	vmul.f32 v3, v8  }
0x12e: {  	v4 =	vmul.f32 v4, v11  }
0x12f: {  	v2 =	vmul.f32 v2, v10;
	[tilespmem:s20+$0x0] =	vst v3  }
0x130: {  	[tilespmem:s20+$0xFFFFFF00] =	vst v4;
	v3 =	vld [tilespmem:s26+$0x10];
	v1 =	vmul.f32 v1, v5  }
0x131: {  	[tilespmem:s20+$0xFFFFFF80] =	vst v2;
	v4 =	vld [tilespmem:s26+$0xFFFFFF10]  }
0x132: {  	v2 =	vld [tilespmem:s26+$0xFFFFFF90];
	[tilespmem:s20+$0x90] =	vst v1  }
0x133: {  	v1 =	vld [tilespmem:s26+$0xA0];
	_ =	sdelay $0x1  }
0x134: {  	v3 =	vmul.f32 v3, v8  }
0x135: {  	s31 =	sadd.s32 $0x4, s15;
	v4 =	vmul.f32 v4, v11  }
0x136: {  	v9 =	vld.msk [tilespmem:s31+$0x0 ss:$0x0], $0xffff;
	v2 =	vmul.f32 v2, v10;
	[tilespmem:s20+$0x10] =	vst v3  }
0x137: {  	[tilespmem:s20+$0xFFFFFF10] =	vst v4;
	v3 =	vld [tilespmem:s26+$0x20];
	v1 =	vmul.f32 v1, v5  }
0x138: {  	[tilespmem:s20+$0xFFFFFF90] =	vst v2;
	v4 =	vld [tilespmem:s26+$0xFFFFFF20]  }
0x139: {  	v2 =	vld [tilespmem:s26+$0xFFFFFFA0];
	[tilespmem:s20+$0xA0] =	vst v1  }
0x13a: {  	s7 =	simm.s32 $0x4B80;
	v1 =	vld [tilespmem:s26+$0xB0]  }
0x13b: {  	v12 =	vld [tilespmem:s7+$0x80]  }
0x13c: {  	v14 =	vld [tilespmem:s7+$0xFFFFFF80];
	v3 =	vmul.f32 v3, v8  }
0x13d: {  	v16 =	vld [tilespmem:s7+$0xFFFFFF00];
	v4 =	vmul.f32 v4, v11  }
0x13e: {  	v2 =	vmul.f32 v2, v10;
	[tilespmem:s20+$0x20] =	vst v3;
	v3 =	vld.msk [tilespmem:s31+$0xFFFFFFFD ss:$0x0], $0xffff  }
0x13f: {  	v15 =	vld [tilespmem:s7+$0x0];
	[tilespmem:s20+$0xFFFFFF20] =	vst v4;
	v1 =	vmul.f32 v1, v5  }
0x140: {  	[tilespmem:s20+$0xFFFFFFA0] =	vst v2;
	v7 =	vld [tilespmem:s26+$0xFFFFFF30]  }
0x141: {  	v6 =	vld [tilespmem:s26+$0xFFFFFFB0];
	[tilespmem:s20+$0xB0] =	vst v1  }
0x142: {  	v13 =	vld [tilespmem:s26+$0xC0]  }
0x143: {  	v4 =	vld [tilespmem:s26+$0x30];
	v16 =	vmul.f32 v16, v3  }
0x144: {  	s21 =	simm.s32 $0x8B80;
	v12 =	vmul.f32 v12, v9;
	v2 =	vld.msk [tilespmem:s31+$0xFFFFFFFE ss:$0x0], $0xffff  }
0x145: {  	v7 =	vmul.f32 v7, v11;
	[tilespmem:s21+$0xFFFFFF00] =	vst v16;
	v1 =	vld.msk [tilespmem:s31+$0xFFFFFFFF ss:$0x0], $0xffff  }
0x146: {  	[tilespmem:s21+$0x80] =	vst v12;
	v6 =	vmul.f32 v6, v10;
	v16 =	vld [tilespmem:s7+$0xFFFFFF10]  }
0x147: {  	[tilespmem:s20+$0xFFFFFF30] =	vst v7;
	v7 =	vld [tilespmem:s7+$0x90];
	v12 =	vmul.f32 v13, v5  }
0x148: {  	v4 =	vmul.f32 v4, v8;
	[tilespmem:s20+$0xFFFFFFB0] =	vst v6;
	v6 =	vld [tilespmem:s26+$0xFFFFFF40]  }
0x149: {  	v13 =	vld [tilespmem:s26+$0xFFFFFFC0];
	[tilespmem:s20+$0xC0] =	vst v12;
	v12 =	vmul.f32 v14, v2  }
0x14a: {  	[tilespmem:s20+$0x30] =	vst v4;
	v14 =	vmul.f32 v15, v1;
	v4 =	vld [tilespmem:s26+$0xD0]  }
0x14b: {  	v16 =	vmul.f32 v16, v3;
	v15 =	vld [tilespmem:s26+$0x40];
	[tilespmem:s21+$0xFFFFFF80] =	vst v12  }
0x14c: {  	v7 =	vmul.f32 v7, v9;
	[tilespmem:s21+$0x0] =	vst v14;
	v12 =	vld [tilespmem:s7+$0xFFFFFF90]  }
0x14d: {  	v6 =	vmul.f32 v6, v11;
	[tilespmem:s21+$0xFFFFFF10] =	vst v16;
	v14 =	vld [tilespmem:s7+$0x10]  }
0x14e: {  	[tilespmem:s21+$0x90] =	vst v7;
	v16 =	vld [tilespmem:s7+$0xFFFFFF20];
	v7 =	vmul.f32 v13, v10  }
0x14f: {  	[tilespmem:s20+$0xFFFFFF40] =	vst v6;
	v13 =	vld [tilespmem:s7+$0xA0];
	v4 =	vmul.f32 v4, v5  }
0x150: {  	v6 =	vmul.f32 v15, v8;
	v15 =	vld [tilespmem:s26+$0xFFFFFF50];
	[tilespmem:s20+$0xFFFFFFC0] =	vst v7  }
0x151: {  	v7 =	vld [tilespmem:s26+$0xFFFFFFD0];
	[tilespmem:s20+$0xD0] =	vst v4;
	v4 =	vmul.f32 v12, v2  }
0x152: {  	[tilespmem:s20+$0x40] =	vst v6;
	v6 =	vmul.f32 v14, v1;
	v12 =	vld [tilespmem:s26+$0xE0]  }
0x153: {  	s2 =	simm.s32 $0x4D80;
	v14 =	vld [tilespmem:s26+$0x50];
	[tilespmem:s21+$0xFFFFFF90] =	vst v4  }
0x154: {  	v19 =	vld [tilespmem:s2+$0x80];
	[tilespmem:s21+$0x10] =	vst v6;
	v6 =	vmul.f32 v13, v9  }
0x155: {  	v15 =	vmul.f32 v15, v11;
	v4 =	vld [tilespmem:s7+$0xFFFFFFA0]  }
0x156: {  	v16 =	vmul.f32 v16, v3;
	v13 =	vld [tilespmem:s7+$0x20];
	[tilespmem:s21+$0xA0] =	vst v6  }
0x157: {  	v6 =	vmul.f32 v7, v10;
	[tilespmem:s20+$0xFFFFFF50] =	vst v15;
	v7 =	vmul.f32 v12, v5;
	v12 =	vld [tilespmem:s7+$0xB0]  }
0x158: {  	[tilespmem:s21+$0xFFFFFF20] =	vst v16;
	v14 =	vmul.f32 v14, v8;
	v15 =	vld [tilespmem:s26+$0xFFFFFF60]  }
0x159: {  	v53 =	vld [tilespmem:s2+$0xFFFFFF80];
	[tilespmem:s20+$0xFFFFFFD0] =	vst v6  }
0x15a: {  	v6 =	vld [tilespmem:s26+$0xFFFFFFE0];
	[tilespmem:s20+$0x50] =	vst v14;
	v4 =	vmul.f32 v4, v2  }
0x15b: {  	[tilespmem:s20+$0xE0] =	vst v7;
	v13 =	vmul.f32 v13, v1;
	v14 =	vld [tilespmem:s26+$0x60]  }
0x15c: {  	v7 =	vld [tilespmem:s26+$0xF0];
	[tilespmem:s21+$0xFFFFFFA0] =	vst v4;
	v4 =	vmul.f32 v12, v9  }
0x15d: {  	[tilespmem:s21+$0x20] =	vst v13;
	v13 =	vmul.f32 v15, v11;
	v15 =	vld [tilespmem:s7+$0xFFFFFF30]  }
0x15e: {  	v17 =	vld [tilespmem:s7+$0xFFFFFFB0];
	[tilespmem:s21+$0xB0] =	vst v4  }
0x15f: {  	v52 =	vld [tilespmem:s7+$0xC0]  }
0x160: {  	v12 =	vld [tilespmem:s7+$0x30];
	[tilespmem:s20+$0xFFFFFF60] =	vst v13;
	v4 =	vmul.f32 v6, v10  }
0x161: {  	s28 =	sadd.s32 $0x4, s31;
	v13 =	vld [tilespmem:s26+$0xFFFFFF70];
	v14 =	vmul.f32 v14, v8  }
0x162: {  	v5 =	vmul.f32 v7, v5;
	[tilespmem:s20+$0xFFFFFFE0] =	vst v4;
	v4 =	vld.msk [tilespmem:s28+$0x0 ss:$0x0], $0xffff  }
0x163: {  	v6 =	vld.msk [tilespmem:s28+$0xFFFFFFFD ss:$0x0], $0xffff;
	[tilespmem:s20+$0x60] =	vst v14;
	v15 =	vmul.f32 v15, v3  }
0x164: {  	v18 =	vld [tilespmem:s26+$0xFFFFFFF0];
	[tilespmem:s20+$0xF0] =	vst v5;
	v16 =	vmul.f32 v52, v9  }
0x165: {  	v7 =	vld.msk [tilespmem:s28+$0xFFFFFFFE ss:$0x0], $0xffff;
	v17 =	vmul.f32 v17, v2;
	[tilespmem:s21+$0xFFFFFF30] =	vst v15  }
0x166: {  	v5 =	vld.msk [tilespmem:s28+$0xFFFFFFFF ss:$0x0], $0xffff;
	v12 =	vmul.f32 v12, v1;
	[tilespmem:s21+$0xC0] =	vst v16  }
0x167: {  	[tilespmem:s21+$0xFFFFFFB0] =	vst v17;
	v54 =	vmul.f32 v19, v4;
	v14 =	vld [tilespmem:s7+$0xD0]  }
0x168: {  	s5 =	simm.s32 $0x8D80;
	[tilespmem:s21+$0x30] =	vst v12;
	v12 =	vld [tilespmem:s2+$0x0];
	v11 =	vmul.f32 v13, v11  }
0x169: {  	v13 =	vld [tilespmem:s2+$0xFFFFFF00];
	v10 =	vmul.f32 v18, v10;
	[tilespmem:s5+$0x80] =	vst v54  }
0x16a: {  	[tilespmem:s20+$0xFFFFFF70] =	vst v11;
	v15 =	vld [tilespmem:s2+$0x90]  }
0x16b: {  	v11 =	vld [tilespmem:s7+$0xFFFFFF40];
	[tilespmem:s20+$0xFFFFFFF0] =	vst v10;
	v10 =	vmul.f32 v53, v7  }
0x16c: {  	v55 =	vld [tilespmem:s7+$0xFFFFFFC0];
	v14 =	vmul.f32 v14, v9  }
0x16d: {  	v56 =	vld [tilespmem:s7+$0x40];
	v12 =	vmul.f32 v12, v5;
	[tilespmem:s5+$0xFFFFFF80] =	vst v10  }
0x16e: {  	v13 =	vmul.f32 v13, v6;
	[tilespmem:s21+$0xD0] =	vst v14;
	v14 =	vld [tilespmem:s2+$0xFFFFFF90]  }
0x16f: {  	[tilespmem:s5+$0x0] =	vst v12;
	v12 =	vmul.f32 v15, v4;
	v10 =	vld [tilespmem:s7+$0xE0]  }
0x170: {  	[tilespmem:s5+$0xFFFFFF00] =	vst v13;
	v11 =	vmul.f32 v11, v3;
	v13 =	vld [tilespmem:s2+$0x10]  }
0x171: {  	v15 =	vld [tilespmem:s2+$0xFFFFFF10];
	[tilespmem:s5+$0x90] =	vst v12;
	v12 =	vmul.f32 v55, v2  }
0x172: {  	[tilespmem:s21+$0xFFFFFF40] =	vst v11;
	v11 =	vmul.f32 v56, v1;
	v57 =	vld [tilespmem:s2+$0xA0]  }
0x173: {  	v58 =	vld [tilespmem:s7+$0xFFFFFF50];
	[tilespmem:s21+$0xFFFFFFC0] =	vst v12;
	v12 =	vmul.f32 v14, v7  }
0x174: {  	[tilespmem:s21+$0x40] =	vst v11;
	v14 =	vld [tilespmem:s7+$0xFFFFFFD0];
	v10 =	vmul.f32 v10, v9  }
0x175: {  	v11 =	vmul.f32 v13, v5;
	v13 =	vld [tilespmem:s7+$0x50];
	[tilespmem:s5+$0xFFFFFF90] =	vst v12  }
0x176: {  	[tilespmem:s21+$0xE0] =	vst v10;
	v10 =	vmul.f32 v15, v6;
	v15 =	vld [tilespmem:s2+$0xFFFFFFA0]  }
0x177: {  	[tilespmem:s5+$0x10] =	vst v11;
	v11 =	vmul.f32 v57, v4;
	v12 =	vld [tilespmem:s7+$0xF0]  }
0x178: {  	v59 =	vmul.f32 v58, v3;
	[tilespmem:s5+$0xFFFFFF10] =	vst v10;
	v10 =	vld [tilespmem:s2+$0x20]  }
0x179: {  	[tilespmem:s5+$0xA0] =	vst v11;
	v11 =	vmul.f32 v14, v2;
	v60 =	vld [tilespmem:s2+$0xFFFFFF20]  }
0x17a: {  	[tilespmem:s21+$0xFFFFFF50] =	vst v59;
	v13 =	vmul.f32 v13, v1;
	v14 =	vld [tilespmem:s2+$0xB0]  }
0x17b: {  	v16 =	vld [tilespmem:s7+$0xFFFFFF60];
	[tilespmem:s21+$0xFFFFFFD0] =	vst v11;
	v11 =	vmul.f32 v15, v7  }
0x17c: {  	[tilespmem:s21+$0x50] =	vst v13;
	v15 =	vld [tilespmem:s7+$0xFFFFFFE0];
	v9 =	vmul.f32 v12, v9  }
0x17d: {  	v61 =	vld [tilespmem:s7+$0x60];
	v10 =	vmul.f32 v10, v5;
	[tilespmem:s5+$0xFFFFFFA0] =	vst v11  }
0x17e: {  	v62 =	vld [tilespmem:s26+$0x70];
	[tilespmem:s21+$0xF0] =	vst v9;
	v9 =	vmul.f32 v60, v6  }
0x17f: {  	v63 =	vld [tilespmem:s2+$0xFFFFFFB0];
	[tilespmem:s5+$0x20] =	vst v10;
	v10 =	vmul.f32 v14, v4  }
0x180: {  	[tilespmem:s5+$0xFFFFFF20] =	vst v9;
	v13 =	vld [tilespmem:s2+$0x30];
	v9 =	vmul.f32 v16, v3  }
0x181: {  	v12 =	vld [tilespmem:s2+$0xFFFFFF30];
	[tilespmem:s5+$0xB0] =	vst v10;
	v10 =	vmul.f32 v15, v2  }
0x182: {  	v15 =	vmul.f32 v61, v1;
	v11 =	vld [tilespmem:s2+$0xC0];
	[tilespmem:s21+$0xFFFFFF60] =	vst v9  }
0x183: {  	s17 =	sadd.s32 $0x1, s17;
	v9 =	vld [tilespmem:s7+$0xFFFFFF70];
	[tilespmem:s21+$0xFFFFFFE0] =	vst v10;
	v10 =	vmul.f32 v62, v8  }
0x184: {  	s3 =	simm.s32 $0x4D80;
	s26 =	simm.s32 $0x8;
	s28 =	sadd.s32 $0x4, s28;
	v14 =	vmul.f32 v63, v7;
	[tilespmem:s21+$0x60] =	vst v15;
	v8 =	vld [tilespmem:s7+$0xFFFFFFF0]  }
.LBB2_8:
0x185: {  	v15 =	vld.msk [tilespmem:s28+$0x0 ss:$0x0], $0xffff;
	s26 =	sadd.s32 $0x4, s26;
	v13 =	vmul.f32 v13, v5;
	s2 =	sadd.s32 $0x200, s2;
	[tilespmem:s20+$0x70] =	vst v10;
	s20 =	smov.u32 s21  }
0x186: {  	s21 =	smov.u32 s5;
	v10 =	vld [tilespmem:s2+$0x80];
	p0 =	slt.u32 s26, $0x3C;
	v12 =	vmul.f32 v12, v6;
	[tilespmem:s5+$0xFFFFFFB0] =	vst v14  }
0x187: {  	v14 =	vld.msk [tilespmem:s28+$0xFFFFFFFD ss:$0x0], $0xffff;
	[tilespmem:s5+$0x30] =	vst v13;
	v11 =	vmul.f32 v11, v4  }
0x188: {  	v13 =	vld.msk [tilespmem:s28+$0xFFFFFFFE ss:$0x0], $0xffff;
	[tilespmem:s5+$0xFFFFFF30] =	vst v12;
	v9 =	vmul.f32 v9, v3;
	v3 =	vmov v6  }
0x189: {  	v16 =	vld.msk [tilespmem:s28+$0xFFFFFFFF ss:$0x0], $0xffff;
	[tilespmem:s5+$0xC0] =	vst v11;
	v6 =	vmul.f32 v8, v2;
	v2 =	vmov v7  }
0x18a: {  	v8 =	vld [tilespmem:s3+$0xD0];
	[tilespmem:s20+$0xFFFFFF70] =	vst v9  }
0x18b: {  	v9 =	vld [tilespmem:s2+$0xFFFFFF80];
	v17 =	vmul.f32 v10, v15;
	[tilespmem:s20+$0xFFFFFFF0] =	vst v6  }
0x18c: {  	s5 =	sadd.s32 $0x200, s5;
	v10 =	vld [tilespmem:s2+$0x0]  }
0x18d: {  	v11 =	vld [tilespmem:s2+$0xFFFFFF00];
	[tilespmem:s5+$0x80] =	vst v17;
	v6 =	vmov v14  }
0x18e: {  	v7 =	vmov v13;
	v12 =	vld [tilespmem:s2+$0x90]  }
0x18f: {  	v13 =	vld [tilespmem:s3+$0xFFFFFF40];
	v8 =	vmul.f32 v8, v4  }
0x190: {  	v9 =	vmul.f32 v9, v7;
	v14 =	vld [tilespmem:s3+$0xFFFFFFC0]  }
0x191: {  	v10 =	vmul.f32 v10, v16;
	v17 =	vld [tilespmem:s3+$0x40];
	[tilespmem:s21+$0xD0] =	vst v8  }
0x192: {  	v8 =	vmul.f32 v11, v6;
	[tilespmem:s5+$0xFFFFFF80] =	vst v9;
	v9 =	vld [tilespmem:s3+$0xE0]  }
0x193: {  	v11 =	vld [tilespmem:s2+$0xFFFFFF90];
	[tilespmem:s5+$0x0] =	vst v10;
	v10 =	vmul.f32 v12, v15  }
0x194: {  	[tilespmem:s5+$0xFFFFFF00] =	vst v8;
	v8 =	vld [tilespmem:s2+$0x10];
	v12 =	vmul.f32 v13, v3  }
0x195: {  	v13 =	vld [tilespmem:s2+$0xFFFFFF10];
	[tilespmem:s5+$0x90] =	vst v10;
	v10 =	vmul.f32 v14, v2  }
0x196: {  	v14 =	vld [tilespmem:s2+$0xA0];
	[tilespmem:s21+$0xFFFFFF40] =	vst v12;
	v12 =	vmul.f32 v17, v5  }
0x197: {  	v17 =	vld [tilespmem:s3+$0xFFFFFF50];
	[tilespmem:s21+$0xFFFFFFC0] =	vst v10;
	v9 =	vmul.f32 v9, v4  }
0x198: {  	v10 =	vmul.f32 v11, v7;
	v11 =	vld [tilespmem:s3+$0xFFFFFFD0];
	[tilespmem:s21+$0x40] =	vst v12  }
0x199: {  	v8 =	vmul.f32 v8, v16;
	v12 =	vld [tilespmem:s3+$0x50];
	[tilespmem:s21+$0xE0] =	vst v9  }
0x19a: {  	v9 =	vmul.f32 v13, v6;
	[tilespmem:s5+$0xFFFFFF90] =	vst v10;
	v10 =	vld [tilespmem:s3+$0xF0]  }
0x19b: {  	v13 =	vld [tilespmem:s2+$0xFFFFFFA0];
	[tilespmem:s5+$0x10] =	vst v8;
	v8 =	vmul.f32 v14, v15  }
0x19c: {  	[tilespmem:s5+$0xFFFFFF10] =	vst v9;
	v9 =	vld [tilespmem:s2+$0x20];
	v14 =	vmul.f32 v17, v3  }
0x19d: {  	v17 =	vld [tilespmem:s2+$0xFFFFFF20];
	[tilespmem:s5+$0xA0] =	vst v8;
	v8 =	vmul.f32 v11, v2  }
0x19e: {  	v11 =	vld [tilespmem:s2+$0xB0];
	[tilespmem:s21+$0xFFFFFF50] =	vst v14;
	v12 =	vmul.f32 v12, v5  }
0x19f: {  	v14 =	vld [tilespmem:s3+$0xFFFFFF60];
	[tilespmem:s21+$0xFFFFFFD0] =	vst v8;
	v8 =	vmul.f32 v10, v4;
	v4 =	vmov v15  }
0x1a0: {  	v10 =	vmul.f32 v13, v7;
	v15 =	vld [tilespmem:s3+$0xFFFFFFE0];
	[tilespmem:s21+$0x50] =	vst v12  }
0x1a1: {  	v9 =	vmul.f32 v9, v16;
	v18 =	vld [tilespmem:s3+$0x60];
	[tilespmem:s21+$0xF0] =	vst v8  }
0x1a2: {  	v8 =	vmul.f32 v17, v6;
	[tilespmem:s5+$0xFFFFFFA0] =	vst v10;
	v10 =	vld [tilespmem:s7+$0x70];
	s7 =	smov.u32 s3;
	s3 =	smov.u32 s2  }
0x1a3: {  	v17 =	vld [tilespmem:s2+$0xFFFFFFB0];
	[tilespmem:s5+$0x20] =	vst v9;
	v9 =	vmul.f32 v11, v4  }
.Ltmp2:
0x1a4: {  	[tilespmem:s5+$0xFFFFFF20] =	vst v8;
	v13 =	vld [tilespmem:s2+$0x30];
	v8 =	vmul.f32 v14, v3;
	(pc) =	sbr.rel @p0 .LBB2_8-.Ltmp2, $4  }
0x1a5: {  	v12 =	vld [tilespmem:s2+$0xFFFFFF30];
	[tilespmem:s5+$0xB0] =	vst v9;
	v14 =	vmul.f32 v15, v2  }
0x1a6: {  	v11 =	vld [tilespmem:s2+$0xC0];
	[tilespmem:s21+$0xFFFFFF60] =	vst v8;
	v15 =	vmul.f32 v18, v5  }
0x1a7: {  	v9 =	vld [tilespmem:s7+$0xFFFFFF70];
	[tilespmem:s21+$0xFFFFFFE0] =	vst v14;
	v10 =	vmul.f32 v10, v1;
	v1 =	vmov v5;
	v5 =	vmov v16  }
0x1a8: {  	s28 =	sadd.s32 $0x4, s28;
	v14 =	vmul.f32 v17, v7;
	v8 =	vld [tilespmem:s7+$0xFFFFFFF0];
	[tilespmem:s21+$0x60] =	vst v15  }
0x1a9: {  	_ = 	snop  }
0x1aa: {  	v12 =	vmul.f32 v12, v6;
	_ =	sdelay $0x1  }
0x1ab: {  	v13 =	vmul.f32 v13, v5;
	[tilespmem:s5+$0xFFFFFF30] =	vst v12  }
0x1ac: {  	[tilespmem:s5+$0xFFFFFFB0] =	vst v14;
	v12 =	vld [tilespmem:s3+$0xFFFFFF40]  }
0x1ad: {  	[tilespmem:s5+$0x30] =	vst v13;
	v52 =	vld [tilespmem:s3+$0xFFFFFFC0]  }
0x1ae: {  	v53 =	vld [tilespmem:s3+$0x40];
	_ =	sdelay $0x1  }
0x1af: {  	v11 =	vmul.f32 v11, v4  }
0x1b0: {  	v54 =	vmul.f32 v12, v6  }
0x1b1: {  	[tilespmem:s5+$0xC0] =	vst v11;
	v13 =	vmul.f32 v52, v7  }
0x1b2: {  	v55 =	vld [tilespmem:s3+$0xD0];
	v56 =	vmul.f32 v53, v5;
	[tilespmem:s5+$0xFFFFFF40] =	vst v54  }
0x1b3: {  	[tilespmem:s5+$0xFFFFFFC0] =	vst v13;
	v57 =	vld [tilespmem:s3+$0xFFFFFF50]  }
0x1b4: {  	v13 =	vld [tilespmem:s3+$0xFFFFFFD0];
	[tilespmem:s5+$0x40] =	vst v56  }
0x1b5: {  	v11 =	vld [tilespmem:s3+$0x50];
	_ =	sdelay $0x1  }
0x1b6: {  	v12 =	vmul.f32 v55, v4  }
0x1b7: {  	v58 =	vmul.f32 v57, v6  }
0x1b8: {  	[tilespmem:s5+$0xD0] =	vst v12;
	v13 =	vmul.f32 v13, v7  }
0x1b9: {  	v59 =	vld [tilespmem:s3+$0xE0];
	v11 =	vmul.f32 v11, v5;
	[tilespmem:s5+$0xFFFFFF50] =	vst v58  }
0x1ba: {  	[tilespmem:s5+$0xFFFFFFD0] =	vst v13;
	v12 =	vld [tilespmem:s3+$0xFFFFFF60]  }
0x1bb: {  	v13 =	vld [tilespmem:s3+$0xFFFFFFE0];
	[tilespmem:s5+$0x50] =	vst v11  }
0x1bc: {  	v11 =	vld [tilespmem:s3+$0x60];
	_ =	sdelay $0x1  }
0x1bd: {  	v14 =	vmul.f32 v59, v4  }
0x1be: {  	v12 =	vmul.f32 v12, v6  }
0x1bf: {  	v60 =	vld [tilespmem:s7+$0x70];
	[tilespmem:s5+$0xE0] =	vst v14;
	v13 =	vmul.f32 v13, v7  }
0x1c0: {  	v14 =	vld [tilespmem:s3+$0xF0];
	v11 =	vmul.f32 v11, v5;
	[tilespmem:s5+$0xFFFFFF60] =	vst v12  }
0x1c1: {  	[tilespmem:s5+$0xFFFFFFE0] =	vst v13;
	v61 =	vld [tilespmem:s3+$0xFFFFFF70]  }
0x1c2: {  	v3 =	vmul.f32 v9, v3;
	v62 =	vld [tilespmem:s3+$0xFFFFFFF0];
	[tilespmem:s5+$0x60] =	vst v11  }
0x1c3: {  	[tilespmem:s20+$0x70] =	vst v10;
	v2 =	vmul.f32 v8, v2;
	v63 =	vld [tilespmem:s3+$0x70]  }
0x1c4: {  	[tilespmem:s21+$0xFFFFFF70] =	vst v3;
	v1 =	vmul.f32 v60, v1  }
0x1c5: {  	[tilespmem:s21+$0xFFFFFFF0] =	vst v2;
	v3 =	vmul.f32 v14, v4  }
0x1c6: {  	p0 =	sne.s32 s17, $0x14;
	[tilespmem:s21+$0x70] =	vst v1;
	v2 =	vmul.f32 v61, v6  }
.Ltmp3:
0x1c7: {  	[tilespmem:s5+$0xF0] =	vst v3;
	v1 =	vmul.f32 v62, v7;
	(pc) =	sbr.rel @p0 .LBB2_5-.Ltmp3, $4  }
0x1c8: {  	s2 =	sshll.u32 s16, $0x7;
	[tilespmem:s5+$0xFFFFFF70] =	vst v2;
	v2 =	vmul.f32 v63, v5  }
0x1c9: {  	s2 =	sand.u32 $0x3FFFFF80, s2;
	[tilespmem:s5+$0xFFFFFFF0] =	vst v1  }
0x1ca: {  	s14 =	sadd.s32 $0x80, s14;
	s15 =	sadd.s32 $0x80, s15;
	s2 =	sadd.s32 $0x1480, s2;
	[tilespmem:s5+$0x70] =	vst v2  }
0x1cb: {  	[spmem:s4] =	stream.indirect.scatter.add.f32 [tilespmem:s10], [sflag:$0x3], $0x80, s2, s30, $0x2000b8;
	[tilespmem:$0x1E880] =	vst v63  }
0x1cc: {  	_ =	swait.ge [sflag:s11], $0x2000;
	s13 =	sadd.s32 $0x1, s13  }
0x1cd: {  	[sflag:s11] =	ssyncset.done $0x0;
	p0 =	sne.s32 s13, $0x4  }
.Ltmp4:
0x1ce: {  	[sflag:s11] =	ssyncadd.s32 $0xFFFFE000;
	(pc) =	sbr.rel @p0 .LBB2_4-.Ltmp4, $4  }
0x1cf: {  	_ =	swait.ge [sflag:s11], $0x2000  }
0x1d0: {  	[sflag:s11] =	ssyncset.done $0x0  }
0x1d1: {  	[sflag:s11] =	ssyncadd.s32 $0xFFFFE000  }
0x1d2: {  	_ =	strace $0x9000004B  }
0x1d3: {  	_ =	strace $0x90000049  }
0x1d4: {  	[bflag:$0x0] =	sbarrier.arrive $0xFFFF  }
0x1d5: {  	s2 =	stileid.u32;
	_ =	strace $0x8000004C  }
0x1d6: {  	s2 =	sshll.u32 s2, $0x6;
	s13 =	rddreg [dreg:$0x6]  }
0x1d7: {  	s2 =	sor.u32 $0x1C05, s2;
	s5 =	rddreg [dreg:$0x11];
	s3 =	sshrl.u32 s13, $0x3  }
0x1d8: {  	[hbm:s5], [sflag:s2] =	dma.local [spmem:s3], $0x2800  }
0x1d9: {  	_ =	swait.ge [sflag:s23], $0x2800  }
0x1da: {  	s12 =	rddreg [dreg:$0x5]  }
0x1db: {  	s31 =	rddreg [dreg:$0x10];
	s12 =	sadd.s32 $0x1, s12  }
0x1dc: {  	p0 =	sne.s32 s12, s31  }
.Ltmp5:
0x1dd: {  	_ = 	snop;
	(pc) =	sbr.rel @p0 .LBB2_1-.Ltmp5, $4  }
0x1de: {  	_ = 	snop  }
0x1df: {  	[sflag:s23] =	ssyncset.done $0x0  }
0x1e0: {  	[sflag:s23] =	ssyncadd.s32 $0xFFFFD800  }
0x1e1: {  	_ =	strace $0x9000004C  }
0x1e2: {  	_ =	sfence.sel $0x180000  }
0x1e3: {  	[bflag:$0x0] =	sbarrier.arrive $0xFFFF  }
0x1e4: {  	_ =	strace $0x90000047  }
0x1e5: {  	s0 =	stileid.u32;
	[bflag:$0x2] =	sbarrier.arrive $0xFFFF  }
0x1e6: {  	p0 =	sne.s32 s0, $0x0;
	s0 =	rddreg [dreg:$0x4]  }
0x1e7: {  	s0 =	sadd.s32 @!p0 $0x100000, s0  }
0x1e8: {  	[sflag:s0] =	ssyncadd.tile.s32 @!p0 $0x1;
	_ =	shalt  }
.Lfunc_end2:
_tile_overlayer_lowered:
.L_overlay_start_2:
0x1e9: {  	(tag) =	ssettag $0x2  }
0x1ea: {  	s0 =	rddreg [dreg:$0x0];
	s2 =	stileid.u32  }
0x1eb: {  	s1 =	rddreg [dreg:$0x1];
	p0 =	sne.s32 s2, $0x0  }
0x1ec: {  	s3 =	rddreg [dreg:$0x2];
	[bflag:$0x3] =	sbarrier.arrive $0xFFFF;
	s2 =	simm.s32 @!p0 $0x1C05  }
0x1ed: {  	[timem:s3], [sflag:s2] =	dma.local @!p0 [hbm:s0], s1  }
0x1ee: {  	s0 =	simm.s32 @!p0 $0x5  }
0x1ef: {  	_ =	swait.ge @!p0 [sflag:s0], s1  }
0x1f0: {  	s1 =	ssub.s32 @!p0 $0x0, s1;
	[sflag:s0] =	ssyncset.done @!p0 $0x0  }
0x1f1: {  	[sflag:s0] =	ssyncadd.s32 @!p0 s1  }
0x1f2: {  	[bflag:$0x3] =	sbarrier.arrive $0xFFFF  }
0x1f3: {  	_ =	shalt  }

</sc_bundles>
